<compile_context>
chip_gen: v7x
topology: tpu7x:2x2x1
jax: 0.10.2.dev20260603
libtpu: 0.0.44.dev20260713+nightly
codegen_flags: <defaults>
</compile_context>

<pallas_src>
import functools

import jax
import jax.numpy as jnp
from jax import lax
from jax.experimental import pallas as pl
from jax.experimental.pallas import tpu as pltpu
from jax.experimental.pallas import tpu_sc as plsc

B = 4096
L = 50
D = 32
LANES = 16
NW = 32
BPW = B // NW
GCH = 12
NG = (L - 1) // GCH


def _embed_kernel_body(u_idx, i_idx, h_idx, u_tab, i_tab, h_tab,
                       out_u, out_i, out_h,
                       uidx_v, iidx_v, hidx_v, urows, irows, acc,
                       sem_ui, sem_h):
    cid = lax.axis_index("c")
    sid = lax.axis_index("s")
    wid = sid * 2 + cid
    base = wid * BPW

    pltpu.sync_copy(u_idx.at[pl.ds(base, BPW)], uidx_v)
    pltpu.sync_copy(i_idx.at[pl.ds(base, BPW)], iidx_v)
    pltpu.sync_copy(h_idx.at[pl.ds(wid * L, L)], hidx_v)

    g_u = pltpu.async_copy(u_tab.at[uidx_v], urows, sem_ui)
    g_i = pltpu.async_copy(i_tab.at[iidx_v], irows, sem_ui)

    pltpu.async_copy(h_tab.at[hidx_v.at[0]], acc, sem_h).wait()
    pltpu.async_copy(h_tab.at[hidx_v.at[L - 1]], acc, sem_h, add=True)

    def fire_group(g):
        for k in range(GCH):
            pltpu.async_copy(h_tab.at[hidx_v.at[1 + g * GCH + k]],
                             acc, sem_h, add=True)

    def drain(n):
        for _ in range(n):
            pltpu.make_async_copy(h_tab.at[pl.ds(0, BPW)], acc,
                                  sem_h).wait()

    fire_group(0)

    def pipelined(g, carry):
        fire_group(g)
        drain(GCH)
        return carry

    lax.fori_loop(1, NG, pipelined, 0)
    drain(GCH + 1)

    scale = jnp.full((LANES,), 1.0 / L, jnp.float32)

    def scl(r, carry):
        acc[r, pl.ds(0, LANES)] = acc[r, pl.ds(0, LANES)] * scale
        acc[r, pl.ds(LANES, LANES)] = acc[r, pl.ds(LANES, LANES)] * scale
        return carry

    lax.fori_loop(0, BPW, scl, 0)

    g_u.wait()
    g_i.wait()
    pltpu.sync_copy(urows, out_u.at[pl.ds(base, BPW)])
    pltpu.sync_copy(irows, out_i.at[pl.ds(base, BPW)])
    pltpu.sync_copy(acc, out_h.at[pl.ds(base, BPW)])


@jax.jit
def kernel(user_idx, item_idx, hist_idx, user_table, item_table, hist_table):
    u_idx = user_idx.reshape(B).astype(jnp.int32)
    i_idx = item_idx.reshape(B).astype(jnp.int32)
    h_idx = (hist_idx.astype(jnp.int32)
             .reshape(NW, BPW, L)
             .transpose(0, 2, 1)
             .reshape(NW * L, BPW))

    mesh = plsc.VectorSubcoreMesh(core_axis_name="c", subcore_axis_name="s")
    run = functools.partial(
        pl.kernel,
        out_type=[jax.ShapeDtypeStruct((B, D), jnp.float32),
                  jax.ShapeDtypeStruct((B, D), jnp.float32),
                  jax.ShapeDtypeStruct((B, D), jnp.float32)],
        mesh=mesh,
        compiler_params=pltpu.CompilerParams(use_tc_tiling_on_sc=False),
        scratch_types=[
            pltpu.VMEM((BPW,), jnp.int32),
            pltpu.VMEM((BPW,), jnp.int32),
            pltpu.VMEM((L, BPW), jnp.int32),
            pltpu.VMEM((BPW, D), jnp.float32),
            pltpu.VMEM((BPW, D), jnp.float32),
            pltpu.VMEM((BPW, D), jnp.float32),
            pltpu.SemaphoreType.DMA,
            pltpu.SemaphoreType.DMA,
        ],
    )(_embed_kernel_body)

    e_u, e_i, e_h = run(u_idx, i_idx, h_idx, user_table, item_table,
                        hist_table)
    return jnp.stack([e_u, e_i, e_h], axis=1)

# --- scband reference (transcript-rebuilt; emitter-appended) ---
"""Pipeline reference for scband-embedding-layer-28252294873092 (READ-ONLY COPY).

The authoritative reference and input builder live on the scoring server;
editing this copy changes nothing except your own understanding.
"""

import jax, jax.numpy as jnp
import numpy as np


def setup_inputs(seed: int = 0) -> dict:
    key = jax.random.key(seed)
    k1, k2, k3, k4, k5, k6 = jax.random.split(key, 6)
    user_idx = jax.random.randint(k1, (4096, 1), 0, 1000000)
    item_idx = jax.random.randint(k2, (4096, 1), 0, 100000)
    hist_idx = jax.random.randint(k3, (4096, 50), 0, 100000)
    # embedding tables, RandomNormal(stddev=0.01)
    user_table = jax.random.normal(k4, (1000000, 32), dtype=jnp.float32) * 0.01
    item_table = jax.random.normal(k5, (100000, 32), dtype=jnp.float32) * 0.01
    hist_table = jax.random.normal(k6, (100000, 32), dtype=jnp.float32) * 0.01
    return {
        "user_idx": user_idx,
        "item_idx": item_idx,
        "hist_idx": hist_idx,
        "user_table": user_table,
        "item_table": item_table,
        "hist_table": hist_table,
    }


def reference(user_idx, item_idx, hist_idx, user_table, item_table, hist_table):
    # Non-sequence features: Embedding lookup on [B, 1] -> [B, 1, emb_dim]
    e_user = jnp.take(user_table, user_idx, axis=0)
    e_item = jnp.take(item_table, item_idx, axis=0)
    # Sequence feature: lookup [B, L] -> [B, L, emb_dim], then mean over L with keepdims.
    # Note: tf.math.reduce_mean in the original ignores the mask from mask_zero=True,
    # so we faithfully average over ALL positions including index-0 embeddings.
    e_hist = jnp.take(hist_table, hist_idx, axis=0)
    e_hist = jnp.mean(e_hist, axis=1, keepdims=True)
    # Concatenate along axis=1 -> [B, 3, emb_dim]
    return jnp.concatenate([e_user, e_item, e_hist], axis=1)

if __name__ == "__main__":
    import jax
    _d = setup_inputs()
    print(jax.jit(kernel)(*tuple(_d.values())))

</pallas_src>

<mosaic_0001>
#map = affine_map<(d0, d1) -> (0)>
#map1 = affine_map<(d0, d1) -> (0, 0)>
module attributes {stable_mosaic.version = 14 : i64} {
  func.func @_embed_kernel_body(%arg0: i32, %arg1: i32, %arg2: memref<4096xi32, #tpu.memory_space<hbm>>, %arg3: memref<4096xi32, #tpu.memory_space<hbm>>, %arg4: memref<1600x128xi32, #tpu.memory_space<hbm>>, %arg5: memref<1000000x32xf32, #tpu.memory_space<hbm>>, %arg6: memref<100000x32xf32, #tpu.memory_space<hbm>>, %arg7: memref<100000x32xf32, #tpu.memory_space<hbm>>, %arg8: memref<4096x32xf32, #tpu.memory_space<hbm>>, %arg9: memref<4096x32xf32, #tpu.memory_space<hbm>>, %arg10: memref<4096x32xf32, #tpu.memory_space<hbm>>, %arg11: memref<128xi32, #tpu.memory_space<vmem>>, %arg12: memref<128xi32, #tpu.memory_space<vmem>>, %arg13: memref<50x128xi32, #tpu.memory_space<vmem>>, %arg14: memref<128x32xf32, #tpu.memory_space<vmem>>, %arg15: memref<128x32xf32, #tpu.memory_space<vmem>>, %arg16: memref<128x32xf32, #tpu.memory_space<vmem>>, %arg17: memref<!tpu.dma_semaphore, #tpu.memory_space<semaphore_mem>>, %arg18: memref<!tpu.dma_semaphore, #tpu.memory_space<semaphore_mem>>) attributes {dimension_semantics = [#tpu.dimension_semantics<core_parallel>, #tpu.dimension_semantics<subcore_parallel>], iteration_bounds = array<i64: 2, 16>, scalar_prefetch = 0 : i64, scratch_operands = 8 : i64, tpu.core_type = #tpu.core_type<sc_vector_subcore>, window_params = [{transform_indices = #map}, {transform_indices = #map}, {transform_indices = #map1}, {transform_indices = #map1}, {transform_indices = #map1}, {transform_indices = #map1}, {transform_indices = #map1}, {transform_indices = #map1}, {transform_indices = #map1}]} {
    %mul3A = arith.constant 2 : i32
    %mul3A_0 = arith.muli %arg1, %mul3A : i32
    %add3A = arith.addi %mul3A_0, %arg0 : i32
    %mul3A_1 = arith.constant 128 : i32
    %mul3A_2 = arith.muli %add3A, %mul3A_1 : i32
    "tpu.region"() ({
      %run_scoped3A = tpu.sem_alloc : memref<!tpu.dma_semaphore, #tpu.memory_space<semaphore_mem>>
      %dma_start3A_210 = tpu.memref_slice %arg2[%mul3A_2] : memref<4096xi32, #tpu.memory_space<hbm>> -> memref<128xi32, #tpu.memory_space<hbm>>
      %dma_start3A_211 = tpu.memref_slice %arg2[%mul3A_2] : memref<4096xi32, #tpu.memory_space<hbm>> -> memref<128xi32, #tpu.memory_space<hbm>>
      tpu.enqueue_dma source(%dma_start3A_211 : memref<128xi32, #tpu.memory_space<hbm>>) target(%arg11 : memref<128xi32, #tpu.memory_space<vmem>>) target_semaphore(%run_scoped3A : memref<!tpu.dma_semaphore, #tpu.memory_space<semaphore_mem>>)
      %dma_wait3A_212 = tpu.memref_slice %arg2[%mul3A_2] : memref<4096xi32, #tpu.memory_space<hbm>> -> memref<128xi32, #tpu.memory_space<hbm>>
      %dma_wait3A_213 = tpu.memref_slice %arg2[%mul3A_2] : memref<4096xi32, #tpu.memory_space<hbm>> -> memref<128xi32, #tpu.memory_space<hbm>>
      tpu.wait_dma2 semaphore(%run_scoped3A : memref<!tpu.dma_semaphore, #tpu.memory_space<semaphore_mem>>) src(%dma_wait3A_213 : memref<128xi32, #tpu.memory_space<hbm>>) dst(%arg11 : memref<128xi32, #tpu.memory_space<vmem>>)
      tpu.yield
    }) : () -> ()
    "tpu.region"() ({
      %run_scoped3A = tpu.sem_alloc : memref<!tpu.dma_semaphore, #tpu.memory_space<semaphore_mem>>
      %dma_start3A_210 = tpu.memref_slice %arg3[%mul3A_2] : memref<4096xi32, #tpu.memory_space<hbm>> -> memref<128xi32, #tpu.memory_space<hbm>>
      %dma_start3A_211 = tpu.memref_slice %arg3[%mul3A_2] : memref<4096xi32, #tpu.memory_space<hbm>> -> memref<128xi32, #tpu.memory_space<hbm>>
      tpu.enqueue_dma source(%dma_start3A_211 : memref<128xi32, #tpu.memory_space<hbm>>) target(%arg12 : memref<128xi32, #tpu.memory_space<vmem>>) target_semaphore(%run_scoped3A : memref<!tpu.dma_semaphore, #tpu.memory_space<semaphore_mem>>)
      %dma_wait3A_212 = tpu.memref_slice %arg3[%mul3A_2] : memref<4096xi32, #tpu.memory_space<hbm>> -> memref<128xi32, #tpu.memory_space<hbm>>
      %dma_wait3A_213 = tpu.memref_slice %arg3[%mul3A_2] : memref<4096xi32, #tpu.memory_space<hbm>> -> memref<128xi32, #tpu.memory_space<hbm>>
      tpu.wait_dma2 semaphore(%run_scoped3A : memref<!tpu.dma_semaphore, #tpu.memory_space<semaphore_mem>>) src(%dma_wait3A_213 : memref<128xi32, #tpu.memory_space<hbm>>) dst(%arg12 : memref<128xi32, #tpu.memory_space<vmem>>)
      tpu.yield
    }) : () -> ()
    %mul3A_3 = arith.constant 50 : i32
    %mul3A_4 = arith.muli %add3A, %mul3A_3 : i32
    "tpu.region"() ({
      %run_scoped3A = tpu.sem_alloc : memref<!tpu.dma_semaphore, #tpu.memory_space<semaphore_mem>>
      %dma_start3A_210 = arith.constant 0 : i32
      %dma_start3A_211 = tpu.memref_slice %arg4[%mul3A_4, %dma_start3A_210] : memref<1600x128xi32, #tpu.memory_space<hbm>> -> memref<50x128xi32, #tpu.memory_space<hbm>>
      %dma_start3A_212 = arith.constant 0 : i32
      %dma_start3A_213 = tpu.memref_slice %arg4[%mul3A_4, %dma_start3A_212] : memref<1600x128xi32, #tpu.memory_space<hbm>> -> memref<50x128xi32, #tpu.memory_space<hbm>>
      tpu.enqueue_dma source(%dma_start3A_213 : memref<50x128xi32, #tpu.memory_space<hbm>>) target(%arg13 : memref<50x128xi32, #tpu.memory_space<vmem>>) target_semaphore(%run_scoped3A : memref<!tpu.dma_semaphore, #tpu.memory_space<semaphore_mem>>)
      %dma_wait3A_214 = arith.constant 0 : i32
      %dma_wait3A_215 = tpu.memref_slice %arg4[%mul3A_4, %dma_wait3A_214] : memref<1600x128xi32, #tpu.memory_space<hbm>> -> memref<50x128xi32, #tpu.memory_space<hbm>>
      %dma_wait3A_216 = arith.constant 0 : i32
      %dma_wait3A_217 = tpu.memref_slice %arg4[%mul3A_4, %dma_wait3A_216] : memref<1600x128xi32, #tpu.memory_space<hbm>> -> memref<50x128xi32, #tpu.memory_space<hbm>>
      tpu.wait_dma2 semaphore(%run_scoped3A : memref<!tpu.dma_semaphore, #tpu.memory_space<semaphore_mem>>) src(%dma_wait3A_217 : memref<50x128xi32, #tpu.memory_space<hbm>>) dst(%arg13 : memref<50x128xi32, #tpu.memory_space<vmem>>)
      tpu.yield
    }) : () -> ()
    %dma_start3A = arith.constant 0 : i32
    %dma_start3A_5 = arith.constant 0 : i32
    %dma_start3A_6 = tpu.memref_slice %arg5[%dma_start3A, %dma_start3A_5] : memref<1000000x32xf32, #tpu.memory_space<hbm>> -> memref<1000000x32xf32, #tpu.memory_space<hbm>>
    tpu.enqueue_indirect_dma source(%dma_start3A_6 : memref<1000000x32xf32, #tpu.memory_space<hbm>>) target(%arg14 : memref<128x32xf32, #tpu.memory_space<vmem>>) offsets(%arg11 : memref<128xi32, #tpu.memory_space<vmem>>) semaphore(%arg17 : memref<!tpu.dma_semaphore, #tpu.memory_space<semaphore_mem>>)
    %dma_start3A_7 = arith.constant 0 : i32
    %dma_start3A_8 = arith.constant 0 : i32
    %dma_start3A_9 = tpu.memref_slice %arg6[%dma_start3A_7, %dma_start3A_8] : memref<100000x32xf32, #tpu.memory_space<hbm>> -> memref<100000x32xf32, #tpu.memory_space<hbm>>
    tpu.enqueue_indirect_dma source(%dma_start3A_9 : memref<100000x32xf32, #tpu.memory_space<hbm>>) target(%arg15 : memref<128x32xf32, #tpu.memory_space<vmem>>) offsets(%arg12 : memref<128xi32, #tpu.memory_space<vmem>>) semaphore(%arg17 : memref<!tpu.dma_semaphore, #tpu.memory_space<semaphore_mem>>)
    %dma_start3A_10 = arith.constant 0 : i32
    %dma_start3A_11 = arith.constant 0 : i32
    %dma_start3A_12 = tpu.memref_slice %arg13[%dma_start3A_10, %dma_start3A_11] : memref<50x128xi32, #tpu.memory_space<vmem>> -> memref<1x128xi32, #tpu.memory_space<vmem>>
    %dma_start3A_13 = tpu.memref_squeeze %dma_start3A_12 : memref<1x128xi32, #tpu.memory_space<vmem>> -> memref<128xi32, #tpu.memory_space<vmem>>
    %dma_start3A_14 = arith.constant 0 : i32
    %dma_start3A_15 = arith.constant 0 : i32
    %dma_start3A_16 = tpu.memref_slice %arg7[%dma_start3A_14, %dma_start3A_15] : memref<100000x32xf32, #tpu.memory_space<hbm>> -> memref<100000x32xf32, #tpu.memory_space<hbm>>
    tpu.enqueue_indirect_dma source(%dma_start3A_16 : memref<100000x32xf32, #tpu.memory_space<hbm>>) target(%arg16 : memref<128x32xf32, #tpu.memory_space<vmem>>) offsets(%dma_start3A_13 : memref<128xi32, #tpu.memory_space<vmem>>) semaphore(%arg18 : memref<!tpu.dma_semaphore, #tpu.memory_space<semaphore_mem>>)
    %dma_wait3A = arith.constant 0 : i32
    %dma_wait3A_17 = arith.constant 0 : i32
    %dma_wait3A_18 = tpu.memref_slice %arg13[%dma_wait3A, %dma_wait3A_17] : memref<50x128xi32, #tpu.memory_space<vmem>> -> memref<1x128xi32, #tpu.memory_space<vmem>>
    %dma_wait3A_19 = tpu.memref_squeeze %dma_wait3A_18 : memref<1x128xi32, #tpu.memory_space<vmem>> -> memref<128xi32, #tpu.memory_space<vmem>>
    %dma_wait3A_20 = arith.constant 0 : i32
    %dma_wait3A_21 = arith.constant 0 : i32
    %dma_wait3A_22 = tpu.memref_slice %arg7[%dma_wait3A_20, %dma_wait3A_21] : memref<100000x32xf32, #tpu.memory_space<hbm>> -> memref<100000x32xf32, #tpu.memory_space<hbm>>
    tpu.wait_indirect_dma semaphore(%arg18 : memref<!tpu.dma_semaphore, #tpu.memory_space<semaphore_mem>>) src(%dma_wait3A_22 : memref<100000x32xf32, #tpu.memory_space<hbm>>) dst(%arg16 : memref<128x32xf32, #tpu.memory_space<vmem>>)
    %dma_start3A_23 = arith.constant 49 : i32
    %dma_start3A_24 = arith.constant 0 : i32
    %dma_start3A_25 = tpu.memref_slice %arg13[%dma_start3A_23, %dma_start3A_24] : memref<50x128xi32, #tpu.memory_space<vmem>> -> memref<1x128xi32, #tpu.memory_space<vmem>>
    %dma_start3A_26 = tpu.memref_squeeze %dma_start3A_25 : memref<1x128xi32, #tpu.memory_space<vmem>> -> memref<128xi32, #tpu.memory_space<vmem>>
    %dma_start3A_27 = arith.constant 0 : i32
    %dma_start3A_28 = arith.constant 0 : i32
    %dma_start3A_29 = tpu.memref_slice %arg7[%dma_start3A_27, %dma_start3A_28] : memref<100000x32xf32, #tpu.memory_space<hbm>> -> memref<100000x32xf32, #tpu.memory_space<hbm>>
    tpu.enqueue_indirect_dma source(%dma_start3A_29 : memref<100000x32xf32, #tpu.memory_space<hbm>>) target(%arg16 : memref<128x32xf32, #tpu.memory_space<vmem>>) offsets(%dma_start3A_26 : memref<128xi32, #tpu.memory_space<vmem>>) semaphore(%arg18 : memref<!tpu.dma_semaphore, #tpu.memory_space<semaphore_mem>>) {add = true}
    %dma_start3A_30 = arith.constant 1 : i32
    %dma_start3A_31 = arith.constant 0 : i32
    %dma_start3A_32 = tpu.memref_slice %arg13[%dma_start3A_30, %dma_start3A_31] : memref<50x128xi32, #tpu.memory_space<vmem>> -> memref<1x128xi32, #tpu.memory_space<vmem>>
    %dma_start3A_33 = tpu.memref_squeeze %dma_start3A_32 : memref<1x128xi32, #tpu.memory_space<vmem>> -> memref<128xi32, #tpu.memory_space<vmem>>
    %dma_start3A_34 = arith.constant 0 : i32
    %dma_start3A_35 = arith.constant 0 : i32
    %dma_start3A_36 = tpu.memref_slice %arg7[%dma_start3A_34, %dma_start3A_35] : memref<100000x32xf32, #tpu.memory_space<hbm>> -> memref<100000x32xf32, #tpu.memory_space<hbm>>
    tpu.enqueue_indirect_dma source(%dma_start3A_36 : memref<100000x32xf32, #tpu.memory_space<hbm>>) target(%arg16 : memref<128x32xf32, #tpu.memory_space<vmem>>) offsets(%dma_start3A_33 : memref<128xi32, #tpu.memory_space<vmem>>) semaphore(%arg18 : memref<!tpu.dma_semaphore, #tpu.memory_space<semaphore_mem>>) {add = true}
    %dma_start3A_37 = arith.constant 2 : i32
    %dma_start3A_38 = arith.constant 0 : i32
    %dma_start3A_39 = tpu.memref_slice %arg13[%dma_start3A_37, %dma_start3A_38] : memref<50x128xi32, #tpu.memory_space<vmem>> -> memref<1x128xi32, #tpu.memory_space<vmem>>
    %dma_start3A_40 = tpu.memref_squeeze %dma_start3A_39 : memref<1x128xi32, #tpu.memory_space<vmem>> -> memref<128xi32, #tpu.memory_space<vmem>>
    %dma_start3A_41 = arith.constant 0 : i32
    %dma_start3A_42 = arith.constant 0 : i32
    %dma_start3A_43 = tpu.memref_slice %arg7[%dma_start3A_41, %dma_start3A_42] : memref<100000x32xf32, #tpu.memory_space<hbm>> -> memref<100000x32xf32, #tpu.memory_space<hbm>>
    tpu.enqueue_indirect_dma source(%dma_start3A_43 : memref<100000x32xf32, #tpu.memory_space<hbm>>) target(%arg16 : memref<128x32xf32, #tpu.memory_space<vmem>>) offsets(%dma_start3A_40 : memref<128xi32, #tpu.memory_space<vmem>>) semaphore(%arg18 : memref<!tpu.dma_semaphore, #tpu.memory_space<semaphore_mem>>) {add = true}
    %dma_start3A_44 = arith.constant 3 : i32
    %dma_start3A_45 = arith.constant 0 : i32
    %dma_start3A_46 = tpu.memref_slice %arg13[%dma_start3A_44, %dma_start3A_45] : memref<50x128xi32, #tpu.memory_space<vmem>> -> memref<1x128xi32, #tpu.memory_space<vmem>>
    %dma_start3A_47 = tpu.memref_squeeze %dma_start3A_46 : memref<1x128xi32, #tpu.memory_space<vmem>> -> memref<128xi32, #tpu.memory_space<vmem>>
    %dma_start3A_48 = arith.constant 0 : i32
    %dma_start3A_49 = arith.constant 0 : i32
    %dma_start3A_50 = tpu.memref_slice %arg7[%dma_start3A_48, %dma_start3A_49] : memref<100000x32xf32, #tpu.memory_space<hbm>> -> memref<100000x32xf32, #tpu.memory_space<hbm>>
    tpu.enqueue_indirect_dma source(%dma_start3A_50 : memref<100000x32xf32, #tpu.memory_space<hbm>>) target(%arg16 : memref<128x32xf32, #tpu.memory_space<vmem>>) offsets(%dma_start3A_47 : memref<128xi32, #tpu.memory_space<vmem>>) semaphore(%arg18 : memref<!tpu.dma_semaphore, #tpu.memory_space<semaphore_mem>>) {add = true}
    %dma_start3A_51 = arith.constant 4 : i32
    %dma_start3A_52 = arith.constant 0 : i32
    %dma_start3A_53 = tpu.memref_slice %arg13[%dma_start3A_51, %dma_start3A_52] : memref<50x128xi32, #tpu.memory_space<vmem>> -> memref<1x128xi32, #tpu.memory_space<vmem>>
    %dma_start3A_54 = tpu.memref_squeeze %dma_start3A_53 : memref<1x128xi32, #tpu.memory_space<vmem>> -> memref<128xi32, #tpu.memory_space<vmem>>
    %dma_start3A_55 = arith.constant 0 : i32
    %dma_start3A_56 = arith.constant 0 : i32
    %dma_start3A_57 = tpu.memref_slice %arg7[%dma_start3A_55, %dma_start3A_56] : memref<100000x32xf32, #tpu.memory_space<hbm>> -> memref<100000x32xf32, #tpu.memory_space<hbm>>
    tpu.enqueue_indirect_dma source(%dma_start3A_57 : memref<100000x32xf32, #tpu.memory_space<hbm>>) target(%arg16 : memref<128x32xf32, #tpu.memory_space<vmem>>) offsets(%dma_start3A_54 : memref<128xi32, #tpu.memory_space<vmem>>) semaphore(%arg18 : memref<!tpu.dma_semaphore, #tpu.memory_space<semaphore_mem>>) {add = true}
    %dma_start3A_58 = arith.constant 5 : i32
    %dma_start3A_59 = arith.constant 0 : i32
    %dma_start3A_60 = tpu.memref_slice %arg13[%dma_start3A_58, %dma_start3A_59] : memref<50x128xi32, #tpu.memory_space<vmem>> -> memref<1x128xi32, #tpu.memory_space<vmem>>
    %dma_start3A_61 = tpu.memref_squeeze %dma_start3A_60 : memref<1x128xi32, #tpu.memory_space<vmem>> -> memref<128xi32, #tpu.memory_space<vmem>>
    %dma_start3A_62 = arith.constant 0 : i32
    %dma_start3A_63 = arith.constant 0 : i32
    %dma_start3A_64 = tpu.memref_slice %arg7[%dma_start3A_62, %dma_start3A_63] : memref<100000x32xf32, #tpu.memory_space<hbm>> -> memref<100000x32xf32, #tpu.memory_space<hbm>>
    tpu.enqueue_indirect_dma source(%dma_start3A_64 : memref<100000x32xf32, #tpu.memory_space<hbm>>) target(%arg16 : memref<128x32xf32, #tpu.memory_space<vmem>>) offsets(%dma_start3A_61 : memref<128xi32, #tpu.memory_space<vmem>>) semaphore(%arg18 : memref<!tpu.dma_semaphore, #tpu.memory_space<semaphore_mem>>) {add = true}
    %dma_start3A_65 = arith.constant 6 : i32
    %dma_start3A_66 = arith.constant 0 : i32
    %dma_start3A_67 = tpu.memref_slice %arg13[%dma_start3A_65, %dma_start3A_66] : memref<50x128xi32, #tpu.memory_space<vmem>> -> memref<1x128xi32, #tpu.memory_space<vmem>>
    %dma_start3A_68 = tpu.memref_squeeze %dma_start3A_67 : memref<1x128xi32, #tpu.memory_space<vmem>> -> memref<128xi32, #tpu.memory_space<vmem>>
    %dma_start3A_69 = arith.constant 0 : i32
    %dma_start3A_70 = arith.constant 0 : i32
    %dma_start3A_71 = tpu.memref_slice %arg7[%dma_start3A_69, %dma_start3A_70] : memref<100000x32xf32, #tpu.memory_space<hbm>> -> memref<100000x32xf32, #tpu.memory_space<hbm>>
    tpu.enqueue_indirect_dma source(%dma_start3A_71 : memref<100000x32xf32, #tpu.memory_space<hbm>>) target(%arg16 : memref<128x32xf32, #tpu.memory_space<vmem>>) offsets(%dma_start3A_68 : memref<128xi32, #tpu.memory_space<vmem>>) semaphore(%arg18 : memref<!tpu.dma_semaphore, #tpu.memory_space<semaphore_mem>>) {add = true}
    %dma_start3A_72 = arith.constant 7 : i32
    %dma_start3A_73 = arith.constant 0 : i32
    %dma_start3A_74 = tpu.memref_slice %arg13[%dma_start3A_72, %dma_start3A_73] : memref<50x128xi32, #tpu.memory_space<vmem>> -> memref<1x128xi32, #tpu.memory_space<vmem>>
    %dma_start3A_75 = tpu.memref_squeeze %dma_start3A_74 : memref<1x128xi32, #tpu.memory_space<vmem>> -> memref<128xi32, #tpu.memory_space<vmem>>
    %dma_start3A_76 = arith.constant 0 : i32
    %dma_start3A_77 = arith.constant 0 : i32
    %dma_start3A_78 = tpu.memref_slice %arg7[%dma_start3A_76, %dma_start3A_77] : memref<100000x32xf32, #tpu.memory_space<hbm>> -> memref<100000x32xf32, #tpu.memory_space<hbm>>
    tpu.enqueue_indirect_dma source(%dma_start3A_78 : memref<100000x32xf32, #tpu.memory_space<hbm>>) target(%arg16 : memref<128x32xf32, #tpu.memory_space<vmem>>) offsets(%dma_start3A_75 : memref<128xi32, #tpu.memory_space<vmem>>) semaphore(%arg18 : memref<!tpu.dma_semaphore, #tpu.memory_space<semaphore_mem>>) {add = true}
    %dma_start3A_79 = arith.constant 8 : i32
    %dma_start3A_80 = arith.constant 0 : i32
    %dma_start3A_81 = tpu.memref_slice %arg13[%dma_start3A_79, %dma_start3A_80] : memref<50x128xi32, #tpu.memory_space<vmem>> -> memref<1x128xi32, #tpu.memory_space<vmem>>
    %dma_start3A_82 = tpu.memref_squeeze %dma_start3A_81 : memref<1x128xi32, #tpu.memory_space<vmem>> -> memref<128xi32, #tpu.memory_space<vmem>>
    %dma_start3A_83 = arith.constant 0 : i32
    %dma_start3A_84 = arith.constant 0 : i32
    %dma_start3A_85 = tpu.memref_slice %arg7[%dma_start3A_83, %dma_start3A_84] : memref<100000x32xf32, #tpu.memory_space<hbm>> -> memref<100000x32xf32, #tpu.memory_space<hbm>>
    tpu.enqueue_indirect_dma source(%dma_start3A_85 : memref<100000x32xf32, #tpu.memory_space<hbm>>) target(%arg16 : memref<128x32xf32, #tpu.memory_space<vmem>>) offsets(%dma_start3A_82 : memref<128xi32, #tpu.memory_space<vmem>>) semaphore(%arg18 : memref<!tpu.dma_semaphore, #tpu.memory_space<semaphore_mem>>) {add = true}
    %dma_start3A_86 = arith.constant 9 : i32
    %dma_start3A_87 = arith.constant 0 : i32
    %dma_start3A_88 = tpu.memref_slice %arg13[%dma_start3A_86, %dma_start3A_87] : memref<50x128xi32, #tpu.memory_space<vmem>> -> memref<1x128xi32, #tpu.memory_space<vmem>>
    %dma_start3A_89 = tpu.memref_squeeze %dma_start3A_88 : memref<1x128xi32, #tpu.memory_space<vmem>> -> memref<128xi32, #tpu.memory_space<vmem>>
    %dma_start3A_90 = arith.constant 0 : i32
    %dma_start3A_91 = arith.constant 0 : i32
    %dma_start3A_92 = tpu.memref_slice %arg7[%dma_start3A_90, %dma_start3A_91] : memref<100000x32xf32, #tpu.memory_space<hbm>> -> memref<100000x32xf32, #tpu.memory_space<hbm>>
    tpu.enqueue_indirect_dma source(%dma_start3A_92 : memref<100000x32xf32, #tpu.memory_space<hbm>>) target(%arg16 : memref<128x32xf32, #tpu.memory_space<vmem>>) offsets(%dma_start3A_89 : memref<128xi32, #tpu.memory_space<vmem>>) semaphore(%arg18 : memref<!tpu.dma_semaphore, #tpu.memory_space<semaphore_mem>>) {add = true}
    %dma_start3A_93 = arith.constant 10 : i32
    %dma_start3A_94 = arith.constant 0 : i32
    %dma_start3A_95 = tpu.memref_slice %arg13[%dma_start3A_93, %dma_start3A_94] : memref<50x128xi32, #tpu.memory_space<vmem>> -> memref<1x128xi32, #tpu.memory_space<vmem>>
    %dma_start3A_96 = tpu.memref_squeeze %dma_start3A_95 : memref<1x128xi32, #tpu.memory_space<vmem>> -> memref<128xi32, #tpu.memory_space<vmem>>
    %dma_start3A_97 = arith.constant 0 : i32
    %dma_start3A_98 = arith.constant 0 : i32
    %dma_start3A_99 = tpu.memref_slice %arg7[%dma_start3A_97, %dma_start3A_98] : memref<100000x32xf32, #tpu.memory_space<hbm>> -> memref<100000x32xf32, #tpu.memory_space<hbm>>
    tpu.enqueue_indirect_dma source(%dma_start3A_99 : memref<100000x32xf32, #tpu.memory_space<hbm>>) target(%arg16 : memref<128x32xf32, #tpu.memory_space<vmem>>) offsets(%dma_start3A_96 : memref<128xi32, #tpu.memory_space<vmem>>) semaphore(%arg18 : memref<!tpu.dma_semaphore, #tpu.memory_space<semaphore_mem>>) {add = true}
    %dma_start3A_100 = arith.constant 11 : i32
    %dma_start3A_101 = arith.constant 0 : i32
    %dma_start3A_102 = tpu.memref_slice %arg13[%dma_start3A_100, %dma_start3A_101] : memref<50x128xi32, #tpu.memory_space<vmem>> -> memref<1x128xi32, #tpu.memory_space<vmem>>
    %dma_start3A_103 = tpu.memref_squeeze %dma_start3A_102 : memref<1x128xi32, #tpu.memory_space<vmem>> -> memref<128xi32, #tpu.memory_space<vmem>>
    %dma_start3A_104 = arith.constant 0 : i32
    %dma_start3A_105 = arith.constant 0 : i32
    %dma_start3A_106 = tpu.memref_slice %arg7[%dma_start3A_104, %dma_start3A_105] : memref<100000x32xf32, #tpu.memory_space<hbm>> -> memref<100000x32xf32, #tpu.memory_space<hbm>>
    tpu.enqueue_indirect_dma source(%dma_start3A_106 : memref<100000x32xf32, #tpu.memory_space<hbm>>) target(%arg16 : memref<128x32xf32, #tpu.memory_space<vmem>>) offsets(%dma_start3A_103 : memref<128xi32, #tpu.memory_space<vmem>>) semaphore(%arg18 : memref<!tpu.dma_semaphore, #tpu.memory_space<semaphore_mem>>) {add = true}
    %dma_start3A_107 = arith.constant 12 : i32
    %dma_start3A_108 = arith.constant 0 : i32
    %dma_start3A_109 = tpu.memref_slice %arg13[%dma_start3A_107, %dma_start3A_108] : memref<50x128xi32, #tpu.memory_space<vmem>> -> memref<1x128xi32, #tpu.memory_space<vmem>>
    %dma_start3A_110 = tpu.memref_squeeze %dma_start3A_109 : memref<1x128xi32, #tpu.memory_space<vmem>> -> memref<128xi32, #tpu.memory_space<vmem>>
    %dma_start3A_111 = arith.constant 0 : i32
    %dma_start3A_112 = arith.constant 0 : i32
    %dma_start3A_113 = tpu.memref_slice %arg7[%dma_start3A_111, %dma_start3A_112] : memref<100000x32xf32, #tpu.memory_space<hbm>> -> memref<100000x32xf32, #tpu.memory_space<hbm>>
    tpu.enqueue_indirect_dma source(%dma_start3A_113 : memref<100000x32xf32, #tpu.memory_space<hbm>>) target(%arg16 : memref<128x32xf32, #tpu.memory_space<vmem>>) offsets(%dma_start3A_110 : memref<128xi32, #tpu.memory_space<vmem>>) semaphore(%arg18 : memref<!tpu.dma_semaphore, #tpu.memory_space<semaphore_mem>>) {add = true}
    %scan3A = arith.constant 0 : i32
    %scan3A_114 = arith.constant 1 : i32
    %scan3A_115 = arith.constant 3 : i32
    %scan3A_116 = arith.addi %scan3A_114, %scan3A_115 : i32
    %scan3A_117 = arith.constant 1 : i32
    scf.for %scan3A_210 = %scan3A_114 to %scan3A_116 step %scan3A_117  : i32 {
      %mul3A_211 = arith.constant 12 : i32
      %mul3A_212 = arith.muli %scan3A_210, %mul3A_211 : i32
      %add3A_213 = arith.constant 1 : i32
      %add3A_214 = arith.addi %add3A_213, %mul3A_212 : i32
      %add3A_215 = arith.constant 0 : i32
      %add3A_216 = arith.addi %add3A_214, %add3A_215 : i32
      %dma_start3A_217 = arith.constant 0 : i32
      %dma_start3A_218 = tpu.memref_slice %arg13[%add3A_216, %dma_start3A_217] : memref<50x128xi32, #tpu.memory_space<vmem>> -> memref<1x128xi32, #tpu.memory_space<vmem>>
      %dma_start3A_219 = tpu.memref_squeeze %dma_start3A_218 : memref<1x128xi32, #tpu.memory_space<vmem>> -> memref<128xi32, #tpu.memory_space<vmem>>
      %dma_start3A_220 = arith.constant 0 : i32
      %dma_start3A_221 = arith.constant 0 : i32
      %dma_start3A_222 = tpu.memref_slice %arg7[%dma_start3A_220, %dma_start3A_221] : memref<100000x32xf32, #tpu.memory_space<hbm>> -> memref<100000x32xf32, #tpu.memory_space<hbm>>
      tpu.enqueue_indirect_dma source(%dma_start3A_222 : memref<100000x32xf32, #tpu.memory_space<hbm>>) target(%arg16 : memref<128x32xf32, #tpu.memory_space<vmem>>) offsets(%dma_start3A_219 : memref<128xi32, #tpu.memory_space<vmem>>) semaphore(%arg18 : memref<!tpu.dma_semaphore, #tpu.memory_space<semaphore_mem>>) {add = true}
      %mul3A_223 = arith.constant 12 : i32
      %mul3A_224 = arith.muli %scan3A_210, %mul3A_223 : i32
      %add3A_225 = arith.constant 1 : i32
      %add3A_226 = arith.addi %add3A_225, %mul3A_224 : i32
      %add3A_227 = arith.constant 1 : i32
      %add3A_228 = arith.addi %add3A_226, %add3A_227 : i32
      %dma_start3A_229 = arith.constant 0 : i32
      %dma_start3A_230 = tpu.memref_slice %arg13[%add3A_228, %dma_start3A_229] : memref<50x128xi32, #tpu.memory_space<vmem>> -> memref<1x128xi32, #tpu.memory_space<vmem>>
      %dma_start3A_231 = tpu.memref_squeeze %dma_start3A_230 : memref<1x128xi32, #tpu.memory_space<vmem>> -> memref<128xi32, #tpu.memory_space<vmem>>
      %dma_start3A_232 = arith.constant 0 : i32
      %dma_start3A_233 = arith.constant 0 : i32
      %dma_start3A_234 = tpu.memref_slice %arg7[%dma_start3A_232, %dma_start3A_233] : memref<100000x32xf32, #tpu.memory_space<hbm>> -> memref<100000x32xf32, #tpu.memory_space<hbm>>
      tpu.enqueue_indirect_dma source(%dma_start3A_234 : memref<100000x32xf32, #tpu.memory_space<hbm>>) target(%arg16 : memref<128x32xf32, #tpu.memory_space<vmem>>) offsets(%dma_start3A_231 : memref<128xi32, #tpu.memory_space<vmem>>) semaphore(%arg18 : memref<!tpu.dma_semaphore, #tpu.memory_space<semaphore_mem>>) {add = true}
      %mul3A_235 = arith.constant 12 : i32
      %mul3A_236 = arith.muli %scan3A_210, %mul3A_235 : i32
      %add3A_237 = arith.constant 1 : i32
      %add3A_238 = arith.addi %add3A_237, %mul3A_236 : i32
      %add3A_239 = arith.constant 2 : i32
      %add3A_240 = arith.addi %add3A_238, %add3A_239 : i32
      %dma_start3A_241 = arith.constant 0 : i32
      %dma_start3A_242 = tpu.memref_slice %arg13[%add3A_240, %dma_start3A_241] : memref<50x128xi32, #tpu.memory_space<vmem>> -> memref<1x128xi32, #tpu.memory_space<vmem>>
      %dma_start3A_243 = tpu.memref_squeeze %dma_start3A_242 : memref<1x128xi32, #tpu.memory_space<vmem>> -> memref<128xi32, #tpu.memory_space<vmem>>
      %dma_start3A_244 = arith.constant 0 : i32
      %dma_start3A_245 = arith.constant 0 : i32
      %dma_start3A_246 = tpu.memref_slice %arg7[%dma_start3A_244, %dma_start3A_245] : memref<100000x32xf32, #tpu.memory_space<hbm>> -> memref<100000x32xf32, #tpu.memory_space<hbm>>
      tpu.enqueue_indirect_dma source(%dma_start3A_246 : memref<100000x32xf32, #tpu.memory_space<hbm>>) target(%arg16 : memref<128x32xf32, #tpu.memory_space<vmem>>) offsets(%dma_start3A_243 : memref<128xi32, #tpu.memory_space<vmem>>) semaphore(%arg18 : memref<!tpu.dma_semaphore, #tpu.memory_space<semaphore_mem>>) {add = true}
      %mul3A_247 = arith.constant 12 : i32
      %mul3A_248 = arith.muli %scan3A_210, %mul3A_247 : i32
      %add3A_249 = arith.constant 1 : i32
      %add3A_250 = arith.addi %add3A_249, %mul3A_248 : i32
      %add3A_251 = arith.constant 3 : i32
      %add3A_252 = arith.addi %add3A_250, %add3A_251 : i32
      %dma_start3A_253 = arith.constant 0 : i32
      %dma_start3A_254 = tpu.memref_slice %arg13[%add3A_252, %dma_start3A_253] : memref<50x128xi32, #tpu.memory_space<vmem>> -> memref<1x128xi32, #tpu.memory_space<vmem>>
      %dma_start3A_255 = tpu.memref_squeeze %dma_start3A_254 : memref<1x128xi32, #tpu.memory_space<vmem>> -> memref<128xi32, #tpu.memory_space<vmem>>
      %dma_start3A_256 = arith.constant 0 : i32
      %dma_start3A_257 = arith.constant 0 : i32
      %dma_start3A_258 = tpu.memref_slice %arg7[%dma_start3A_256, %dma_start3A_257] : memref<100000x32xf32, #tpu.memory_space<hbm>> -> memref<100000x32xf32, #tpu.memory_space<hbm>>
      tpu.enqueue_indirect_dma source(%dma_start3A_258 : memref<100000x32xf32, #tpu.memory_space<hbm>>) target(%arg16 : memref<128x32xf32, #tpu.memory_space<vmem>>) offsets(%dma_start3A_255 : memref<128xi32, #tpu.memory_space<vmem>>) semaphore(%arg18 : memref<!tpu.dma_semaphore, #tpu.memory_space<semaphore_mem>>) {add = true}
      %mul3A_259 = arith.constant 12 : i32
      %mul3A_260 = arith.muli %scan3A_210, %mul3A_259 : i32
      %add3A_261 = arith.constant 1 : i32
      %add3A_262 = arith.addi %add3A_261, %mul3A_260 : i32
      %add3A_263 = arith.constant 4 : i32
      %add3A_264 = arith.addi %add3A_262, %add3A_263 : i32
      %dma_start3A_265 = arith.constant 0 : i32
      %dma_start3A_266 = tpu.memref_slice %arg13[%add3A_264, %dma_start3A_265] : memref<50x128xi32, #tpu.memory_space<vmem>> -> memref<1x128xi32, #tpu.memory_space<vmem>>
      %dma_start3A_267 = tpu.memref_squeeze %dma_start3A_266 : memref<1x128xi32, #tpu.memory_space<vmem>> -> memref<128xi32, #tpu.memory_space<vmem>>
      %dma_start3A_268 = arith.constant 0 : i32
      %dma_start3A_269 = arith.constant 0 : i32
      %dma_start3A_270 = tpu.memref_slice %arg7[%dma_start3A_268, %dma_start3A_269] : memref<100000x32xf32, #tpu.memory_space<hbm>> -> memref<100000x32xf32, #tpu.memory_space<hbm>>
      tpu.enqueue_indirect_dma source(%dma_start3A_270 : memref<100000x32xf32, #tpu.memory_space<hbm>>) target(%arg16 : memref<128x32xf32, #tpu.memory_space<vmem>>) offsets(%dma_start3A_267 : memref<128xi32, #tpu.memory_space<vmem>>) semaphore(%arg18 : memref<!tpu.dma_semaphore, #tpu.memory_space<semaphore_mem>>) {add = true}
      %mul3A_271 = arith.constant 12 : i32
      %mul3A_272 = arith.muli %scan3A_210, %mul3A_271 : i32
      %add3A_273 = arith.constant 1 : i32
      %add3A_274 = arith.addi %add3A_273, %mul3A_272 : i32
      %add3A_275 = arith.constant 5 : i32
      %add3A_276 = arith.addi %add3A_274, %add3A_275 : i32
      %dma_start3A_277 = arith.constant 0 : i32
      %dma_start3A_278 = tpu.memref_slice %arg13[%add3A_276, %dma_start3A_277] : memref<50x128xi32, #tpu.memory_space<vmem>> -> memref<1x128xi32, #tpu.memory_space<vmem>>
      %dma_start3A_279 = tpu.memref_squeeze %dma_start3A_278 : memref<1x128xi32, #tpu.memory_space<vmem>> -> memref<128xi32, #tpu.memory_space<vmem>>
      %dma_start3A_280 = arith.constant 0 : i32
      %dma_start3A_281 = arith.constant 0 : i32
      %dma_start3A_282 = tpu.memref_slice %arg7[%dma_start3A_280, %dma_start3A_281] : memref<100000x32xf32, #tpu.memory_space<hbm>> -> memref<100000x32xf32, #tpu.memory_space<hbm>>
      tpu.enqueue_indirect_dma source(%dma_start3A_282 : memref<100000x32xf32, #tpu.memory_space<hbm>>) target(%arg16 : memref<128x32xf32, #tpu.memory_space<vmem>>) offsets(%dma_start3A_279 : memref<128xi32, #tpu.memory_space<vmem>>) semaphore(%arg18 : memref<!tpu.dma_semaphore, #tpu.memory_space<semaphore_mem>>) {add = true}
      %mul3A_283 = arith.constant 12 : i32
      %mul3A_284 = arith.muli %scan3A_210, %mul3A_283 : i32
      %add3A_285 = arith.constant 1 : i32
      %add3A_286 = arith.addi %add3A_285, %mul3A_284 : i32
      %add3A_287 = arith.constant 6 : i32
      %add3A_288 = arith.addi %add3A_286, %add3A_287 : i32
      %dma_start3A_289 = arith.constant 0 : i32
      %dma_start3A_290 = tpu.memref_slice %arg13[%add3A_288, %dma_start3A_289] : memref<50x128xi32, #tpu.memory_space<vmem>> -> memref<1x128xi32, #tpu.memory_space<vmem>>
      %dma_start3A_291 = tpu.memref_squeeze %dma_start3A_290 : memref<1x128xi32, #tpu.memory_space<vmem>> -> memref<128xi32, #tpu.memory_space<vmem>>
      %dma_start3A_292 = arith.constant 0 : i32
      %dma_start3A_293 = arith.constant 0 : i32
      %dma_start3A_294 = tpu.memref_slice %arg7[%dma_start3A_292, %dma_start3A_293] : memref<100000x32xf32, #tpu.memory_space<hbm>> -> memref<100000x32xf32, #tpu.memory_space<hbm>>
      tpu.enqueue_indirect_dma source(%dma_start3A_294 : memref<100000x32xf32, #tpu.memory_space<hbm>>) target(%arg16 : memref<128x32xf32, #tpu.memory_space<vmem>>) offsets(%dma_start3A_291 : memref<128xi32, #tpu.memory_space<vmem>>) semaphore(%arg18 : memref<!tpu.dma_semaphore, #tpu.memory_space<semaphore_mem>>) {add = true}
      %mul3A_295 = arith.constant 12 : i32
      %mul3A_296 = arith.muli %scan3A_210, %mul3A_295 : i32
      %add3A_297 = arith.constant 1 : i32
      %add3A_298 = arith.addi %add3A_297, %mul3A_296 : i32
      %add3A_299 = arith.constant 7 : i32
      %add3A_300 = arith.addi %add3A_298, %add3A_299 : i32
      %dma_start3A_301 = arith.constant 0 : i32
      %dma_start3A_302 = tpu.memref_slice %arg13[%add3A_300, %dma_start3A_301] : memref<50x128xi32, #tpu.memory_space<vmem>> -> memref<1x128xi32, #tpu.memory_space<vmem>>
      %dma_start3A_303 = tpu.memref_squeeze %dma_start3A_302 : memref<1x128xi32, #tpu.memory_space<vmem>> -> memref<128xi32, #tpu.memory_space<vmem>>
      %dma_start3A_304 = arith.constant 0 : i32
      %dma_start3A_305 = arith.constant 0 : i32
      %dma_start3A_306 = tpu.memref_slice %arg7[%dma_start3A_304, %dma_start3A_305] : memref<100000x32xf32, #tpu.memory_space<hbm>> -> memref<100000x32xf32, #tpu.memory_space<hbm>>
      tpu.enqueue_indirect_dma source(%dma_start3A_306 : memref<100000x32xf32, #tpu.memory_space<hbm>>) target(%arg16 : memref<128x32xf32, #tpu.memory_space<vmem>>) offsets(%dma_start3A_303 : memref<128xi32, #tpu.memory_space<vmem>>) semaphore(%arg18 : memref<!tpu.dma_semaphore, #tpu.memory_space<semaphore_mem>>) {add = true}
      %mul3A_307 = arith.constant 12 : i32
      %mul3A_308 = arith.muli %scan3A_210, %mul3A_307 : i32
      %add3A_309 = arith.constant 1 : i32
      %add3A_310 = arith.addi %add3A_309, %mul3A_308 : i32
      %add3A_311 = arith.constant 8 : i32
      %add3A_312 = arith.addi %add3A_310, %add3A_311 : i32
      %dma_start3A_313 = arith.constant 0 : i32
      %dma_start3A_314 = tpu.memref_slice %arg13[%add3A_312, %dma_start3A_313] : memref<50x128xi32, #tpu.memory_space<vmem>> -> memref<1x128xi32, #tpu.memory_space<vmem>>
      %dma_start3A_315 = tpu.memref_squeeze %dma_start3A_314 : memref<1x128xi32, #tpu.memory_space<vmem>> -> memref<128xi32, #tpu.memory_space<vmem>>
      %dma_start3A_316 = arith.constant 0 : i32
      %dma_start3A_317 = arith.constant 0 : i32
      %dma_start3A_318 = tpu.memref_slice %arg7[%dma_start3A_316, %dma_start3A_317] : memref<100000x32xf32, #tpu.memory_space<hbm>> -> memref<100000x32xf32, #tpu.memory_space<hbm>>
      tpu.enqueue_indirect_dma source(%dma_start3A_318 : memref<100000x32xf32, #tpu.memory_space<hbm>>) target(%arg16 : memref<128x32xf32, #tpu.memory_space<vmem>>) offsets(%dma_start3A_315 : memref<128xi32, #tpu.memory_space<vmem>>) semaphore(%arg18 : memref<!tpu.dma_semaphore, #tpu.memory_space<semaphore_mem>>) {add = true}
      %mul3A_319 = arith.constant 12 : i32
      %mul3A_320 = arith.muli %scan3A_210, %mul3A_319 : i32
      %add3A_321 = arith.constant 1 : i32
      %add3A_322 = arith.addi %add3A_321, %mul3A_320 : i32
      %add3A_323 = arith.constant 9 : i32
      %add3A_324 = arith.addi %add3A_322, %add3A_323 : i32
      %dma_start3A_325 = arith.constant 0 : i32
      %dma_start3A_326 = tpu.memref_slice %arg13[%add3A_324, %dma_start3A_325] : memref<50x128xi32, #tpu.memory_space<vmem>> -> memref<1x128xi32, #tpu.memory_space<vmem>>
      %dma_start3A_327 = tpu.memref_squeeze %dma_start3A_326 : memref<1x128xi32, #tpu.memory_space<vmem>> -> memref<128xi32, #tpu.memory_space<vmem>>
      %dma_start3A_328 = arith.constant 0 : i32
      %dma_start3A_329 = arith.constant 0 : i32
      %dma_start3A_330 = tpu.memref_slice %arg7[%dma_start3A_328, %dma_start3A_329] : memref<100000x32xf32, #tpu.memory_space<hbm>> -> memref<100000x32xf32, #tpu.memory_space<hbm>>
      tpu.enqueue_indirect_dma source(%dma_start3A_330 : memref<100000x32xf32, #tpu.memory_space<hbm>>) target(%arg16 : memref<128x32xf32, #tpu.memory_space<vmem>>) offsets(%dma_start3A_327 : memref<128xi32, #tpu.memory_space<vmem>>) semaphore(%arg18 : memref<!tpu.dma_semaphore, #tpu.memory_space<semaphore_mem>>) {add = true}
      %mul3A_331 = arith.constant 12 : i32
      %mul3A_332 = arith.muli %scan3A_210, %mul3A_331 : i32
      %add3A_333 = arith.constant 1 : i32
      %add3A_334 = arith.addi %add3A_333, %mul3A_332 : i32
      %add3A_335 = arith.constant 10 : i32
      %add3A_336 = arith.addi %add3A_334, %add3A_335 : i32
      %dma_start3A_337 = arith.constant 0 : i32
      %dma_start3A_338 = tpu.memref_slice %arg13[%add3A_336, %dma_start3A_337] : memref<50x128xi32, #tpu.memory_space<vmem>> -> memref<1x128xi32, #tpu.memory_space<vmem>>
      %dma_start3A_339 = tpu.memref_squeeze %dma_start3A_338 : memref<1x128xi32, #tpu.memory_space<vmem>> -> memref<128xi32, #tpu.memory_space<vmem>>
      %dma_start3A_340 = arith.constant 0 : i32
      %dma_start3A_341 = arith.constant 0 : i32
      %dma_start3A_342 = tpu.memref_slice %arg7[%dma_start3A_340, %dma_start3A_341] : memref<100000x32xf32, #tpu.memory_space<hbm>> -> memref<100000x32xf32, #tpu.memory_space<hbm>>
      tpu.enqueue_indirect_dma source(%dma_start3A_342 : memref<100000x32xf32, #tpu.memory_space<hbm>>) target(%arg16 : memref<128x32xf32, #tpu.memory_space<vmem>>) offsets(%dma_start3A_339 : memref<128xi32, #tpu.memory_space<vmem>>) semaphore(%arg18 : memref<!tpu.dma_semaphore, #tpu.memory_space<semaphore_mem>>) {add = true}
      %mul3A_343 = arith.constant 12 : i32
      %mul3A_344 = arith.muli %scan3A_210, %mul3A_343 : i32
      %add3A_345 = arith.constant 1 : i32
      %add3A_346 = arith.addi %add3A_345, %mul3A_344 : i32
      %add3A_347 = arith.constant 11 : i32
      %add3A_348 = arith.addi %add3A_346, %add3A_347 : i32
      %dma_start3A_349 = arith.constant 0 : i32
      %dma_start3A_350 = tpu.memref_slice %arg13[%add3A_348, %dma_start3A_349] : memref<50x128xi32, #tpu.memory_space<vmem>> -> memref<1x128xi32, #tpu.memory_space<vmem>>
      %dma_start3A_351 = tpu.memref_squeeze %dma_start3A_350 : memref<1x128xi32, #tpu.memory_space<vmem>> -> memref<128xi32, #tpu.memory_space<vmem>>
      %dma_start3A_352 = arith.constant 0 : i32
      %dma_start3A_353 = arith.constant 0 : i32
      %dma_start3A_354 = tpu.memref_slice %arg7[%dma_start3A_352, %dma_start3A_353] : memref<100000x32xf32, #tpu.memory_space<hbm>> -> memref<100000x32xf32, #tpu.memory_space<hbm>>
      tpu.enqueue_indirect_dma source(%dma_start3A_354 : memref<100000x32xf32, #tpu.memory_space<hbm>>) target(%arg16 : memref<128x32xf32, #tpu.memory_space<vmem>>) offsets(%dma_start3A_351 : memref<128xi32, #tpu.memory_space<vmem>>) semaphore(%arg18 : memref<!tpu.dma_semaphore, #tpu.memory_space<semaphore_mem>>) {add = true}
      %dma_wait3A_355 = arith.constant 0 : i32
      %dma_wait3A_356 = arith.constant 0 : i32
      %dma_wait3A_357 = tpu.memref_slice %arg7[%dma_wait3A_355, %dma_wait3A_356] : memref<100000x32xf32, #tpu.memory_space<hbm>> -> memref<128x32xf32, #tpu.memory_space<hbm>>
      %dma_wait3A_358 = arith.constant 0 : i32
      %dma_wait3A_359 = arith.constant 0 : i32
      %dma_wait3A_360 = tpu.memref_slice %arg7[%dma_wait3A_358, %dma_wait3A_359] : memref<100000x32xf32, #tpu.memory_space<hbm>> -> memref<128x32xf32, #tpu.memory_space<hbm>>
      tpu.wait_dma2 semaphore(%arg18 : memref<!tpu.dma_semaphore, #tpu.memory_space<semaphore_mem>>) src(%dma_wait3A_360 : memref<128x32xf32, #tpu.memory_space<hbm>>) dst(%arg16 : memref<128x32xf32, #tpu.memory_space<vmem>>)
      %dma_wait3A_361 = arith.constant 0 : i32
      %dma_wait3A_362 = arith.constant 0 : i32
      %dma_wait3A_363 = tpu.memref_slice %arg7[%dma_wait3A_361, %dma_wait3A_362] : memref<100000x32xf32, #tpu.memory_space<hbm>> -> memref<128x32xf32, #tpu.memory_space<hbm>>
      %dma_wait3A_364 = arith.constant 0 : i32
      %dma_wait3A_365 = arith.constant 0 : i32
      %dma_wait3A_366 = tpu.memref_slice %arg7[%dma_wait3A_364, %dma_wait3A_365] : memref<100000x32xf32, #tpu.memory_space<hbm>> -> memref<128x32xf32, #tpu.memory_space<hbm>>
      tpu.wait_dma2 semaphore(%arg18 : memref<!tpu.dma_semaphore, #tpu.memory_space<semaphore_mem>>) src(%dma_wait3A_366 : memref<128x32xf32, #tpu.memory_space<hbm>>) dst(%arg16 : memref<128x32xf32, #tpu.memory_space<vmem>>)
      %dma_wait3A_367 = arith.constant 0 : i32
      %dma_wait3A_368 = arith.constant 0 : i32
      %dma_wait3A_369 = tpu.memref_slice %arg7[%dma_wait3A_367, %dma_wait3A_368] : memref<100000x32xf32, #tpu.memory_space<hbm>> -> memref<128x32xf32, #tpu.memory_space<hbm>>
      %dma_wait3A_370 = arith.constant 0 : i32
      %dma_wait3A_371 = arith.constant 0 : i32
      %dma_wait3A_372 = tpu.memref_slice %arg7[%dma_wait3A_370, %dma_wait3A_371] : memref<100000x32xf32, #tpu.memory_space<hbm>> -> memref<128x32xf32, #tpu.memory_space<hbm>>
      tpu.wait_dma2 semaphore(%arg18 : memref<!tpu.dma_semaphore, #tpu.memory_space<semaphore_mem>>) src(%dma_wait3A_372 : memref<128x32xf32, #tpu.memory_space<hbm>>) dst(%arg16 : memref<128x32xf32, #tpu.memory_space<vmem>>)
      %dma_wait3A_373 = arith.constant 0 : i32
      %dma_wait3A_374 = arith.constant 0 : i32
      %dma_wait3A_375 = tpu.memref_slice %arg7[%dma_wait3A_373, %dma_wait3A_374] : memref<100000x32xf32, #tpu.memory_space<hbm>> -> memref<128x32xf32, #tpu.memory_space<hbm>>
      %dma_wait3A_376 = arith.constant 0 : i32
      %dma_wait3A_377 = arith.constant 0 : i32
      %dma_wait3A_378 = tpu.memref_slice %arg7[%dma_wait3A_376, %dma_wait3A_377] : memref<100000x32xf32, #tpu.memory_space<hbm>> -> memref<128x32xf32, #tpu.memory_space<hbm>>
      tpu.wait_dma2 semaphore(%arg18 : memref<!tpu.dma_semaphore, #tpu.memory_space<semaphore_mem>>) src(%dma_wait3A_378 : memref<128x32xf32, #tpu.memory_space<hbm>>) dst(%arg16 : memref<128x32xf32, #tpu.memory_space<vmem>>)
      %dma_wait3A_379 = arith.constant 0 : i32
      %dma_wait3A_380 = arith.constant 0 : i32
      %dma_wait3A_381 = tpu.memref_slice %arg7[%dma_wait3A_379, %dma_wait3A_380] : memref<100000x32xf32, #tpu.memory_space<hbm>> -> memref<128x32xf32, #tpu.memory_space<hbm>>
      %dma_wait3A_382 = arith.constant 0 : i32
      %dma_wait3A_383 = arith.constant 0 : i32
      %dma_wait3A_384 = tpu.memref_slice %arg7[%dma_wait3A_382, %dma_wait3A_383] : memref<100000x32xf32, #tpu.memory_space<hbm>> -> memref<128x32xf32, #tpu.memory_space<hbm>>
      tpu.wait_dma2 semaphore(%arg18 : memref<!tpu.dma_semaphore, #tpu.memory_space<semaphore_mem>>) src(%dma_wait3A_384 : memref<128x32xf32, #tpu.memory_space<hbm>>) dst(%arg16 : memref<128x32xf32, #tpu.memory_space<vmem>>)
      %dma_wait3A_385 = arith.constant 0 : i32
      %dma_wait3A_386 = arith.constant 0 : i32
      %dma_wait3A_387 = tpu.memref_slice %arg7[%dma_wait3A_385, %dma_wait3A_386] : memref<100000x32xf32, #tpu.memory_space<hbm>> -> memref<128x32xf32, #tpu.memory_space<hbm>>
      %dma_wait3A_388 = arith.constant 0 : i32
      %dma_wait3A_389 = arith.constant 0 : i32
      %dma_wait3A_390 = tpu.memref_slice %arg7[%dma_wait3A_388, %dma_wait3A_389] : memref<100000x32xf32, #tpu.memory_space<hbm>> -> memref<128x32xf32, #tpu.memory_space<hbm>>
      tpu.wait_dma2 semaphore(%arg18 : memref<!tpu.dma_semaphore, #tpu.memory_space<semaphore_mem>>) src(%dma_wait3A_390 : memref<128x32xf32, #tpu.memory_space<hbm>>) dst(%arg16 : memref<128x32xf32, #tpu.memory_space<vmem>>)
      %dma_wait3A_391 = arith.constant 0 : i32
      %dma_wait3A_392 = arith.constant 0 : i32
      %dma_wait3A_393 = tpu.memref_slice %arg7[%dma_wait3A_391, %dma_wait3A_392] : memref<100000x32xf32, #tpu.memory_space<hbm>> -> memref<128x32xf32, #tpu.memory_space<hbm>>
      %dma_wait3A_394 = arith.constant 0 : i32
      %dma_wait3A_395 = arith.constant 0 : i32
      %dma_wait3A_396 = tpu.memref_slice %arg7[%dma_wait3A_394, %dma_wait3A_395] : memref<100000x32xf32, #tpu.memory_space<hbm>> -> memref<128x32xf32, #tpu.memory_space<hbm>>
      tpu.wait_dma2 semaphore(%arg18 : memref<!tpu.dma_semaphore, #tpu.memory_space<semaphore_mem>>) src(%dma_wait3A_396 : memref<128x32xf32, #tpu.memory_space<hbm>>) dst(%arg16 : memref<128x32xf32, #tpu.memory_space<vmem>>)
      %dma_wait3A_397 = arith.constant 0 : i32
      %dma_wait3A_398 = arith.constant 0 : i32
      %dma_wait3A_399 = tpu.memref_slice %arg7[%dma_wait3A_397, %dma_wait3A_398] : memref<100000x32xf32, #tpu.memory_space<hbm>> -> memref<128x32xf32, #tpu.memory_space<hbm>>
      %dma_wait3A_400 = arith.constant 0 : i32
      %dma_wait3A_401 = arith.constant 0 : i32
      %dma_wait3A_402 = tpu.memref_slice %arg7[%dma_wait3A_400, %dma_wait3A_401] : memref<100000x32xf32, #tpu.memory_space<hbm>> -> memref<128x32xf32, #tpu.memory_space<hbm>>
      tpu.wait_dma2 semaphore(%arg18 : memref<!tpu.dma_semaphore, #tpu.memory_space<semaphore_mem>>) src(%dma_wait3A_402 : memref<128x32xf32, #tpu.memory_space<hbm>>) dst(%arg16 : memref<128x32xf32, #tpu.memory_space<vmem>>)
      %dma_wait3A_403 = arith.constant 0 : i32
      %dma_wait3A_404 = arith.constant 0 : i32
      %dma_wait3A_405 = tpu.memref_slice %arg7[%dma_wait3A_403, %dma_wait3A_404] : memref<100000x32xf32, #tpu.memory_space<hbm>> -> memref<128x32xf32, #tpu.memory_space<hbm>>
      %dma_wait3A_406 = arith.constant 0 : i32
      %dma_wait3A_407 = arith.constant 0 : i32
      %dma_wait3A_408 = tpu.memref_slice %arg7[%dma_wait3A_406, %dma_wait3A_407] : memref<100000x32xf32, #tpu.memory_space<hbm>> -> memref<128x32xf32, #tpu.memory_space<hbm>>
      tpu.wait_dma2 semaphore(%arg18 : memref<!tpu.dma_semaphore, #tpu.memory_space<semaphore_mem>>) src(%dma_wait3A_408 : memref<128x32xf32, #tpu.memory_space<hbm>>) dst(%arg16 : memref<128x32xf32, #tpu.memory_space<vmem>>)
      %dma_wait3A_409 = arith.constant 0 : i32
      %dma_wait3A_410 = arith.constant 0 : i32
      %dma_wait3A_411 = tpu.memref_slice %arg7[%dma_wait3A_409, %dma_wait3A_410] : memref<100000x32xf32, #tpu.memory_space<hbm>> -> memref<128x32xf32, #tpu.memory_space<hbm>>
      %dma_wait3A_412 = arith.constant 0 : i32
      %dma_wait3A_413 = arith.constant 0 : i32
      %dma_wait3A_414 = tpu.memref_slice %arg7[%dma_wait3A_412, %dma_wait3A_413] : memref<100000x32xf32, #tpu.memory_space<hbm>> -> memref<128x32xf32, #tpu.memory_space<hbm>>
      tpu.wait_dma2 semaphore(%arg18 : memref<!tpu.dma_semaphore, #tpu.memory_space<semaphore_mem>>) src(%dma_wait3A_414 : memref<128x32xf32, #tpu.memory_space<hbm>>) dst(%arg16 : memref<128x32xf32, #tpu.memory_space<vmem>>)
      %dma_wait3A_415 = arith.constant 0 : i32
      %dma_wait3A_416 = arith.constant 0 : i32
      %dma_wait3A_417 = tpu.memref_slice %arg7[%dma_wait3A_415, %dma_wait3A_416] : memref<100000x32xf32, #tpu.memory_space<hbm>> -> memref<128x32xf32, #tpu.memory_space<hbm>>
      %dma_wait3A_418 = arith.constant 0 : i32
      %dma_wait3A_419 = arith.constant 0 : i32
      %dma_wait3A_420 = tpu.memref_slice %arg7[%dma_wait3A_418, %dma_wait3A_419] : memref<100000x32xf32, #tpu.memory_space<hbm>> -> memref<128x32xf32, #tpu.memory_space<hbm>>
      tpu.wait_dma2 semaphore(%arg18 : memref<!tpu.dma_semaphore, #tpu.memory_space<semaphore_mem>>) src(%dma_wait3A_420 : memref<128x32xf32, #tpu.memory_space<hbm>>) dst(%arg16 : memref<128x32xf32, #tpu.memory_space<vmem>>)
      %dma_wait3A_421 = arith.constant 0 : i32
      %dma_wait3A_422 = arith.constant 0 : i32
      %dma_wait3A_423 = tpu.memref_slice %arg7[%dma_wait3A_421, %dma_wait3A_422] : memref<100000x32xf32, #tpu.memory_space<hbm>> -> memref<128x32xf32, #tpu.memory_space<hbm>>
      %dma_wait3A_424 = arith.constant 0 : i32
      %dma_wait3A_425 = arith.constant 0 : i32
      %dma_wait3A_426 = tpu.memref_slice %arg7[%dma_wait3A_424, %dma_wait3A_425] : memref<100000x32xf32, #tpu.memory_space<hbm>> -> memref<128x32xf32, #tpu.memory_space<hbm>>
      tpu.wait_dma2 semaphore(%arg18 : memref<!tpu.dma_semaphore, #tpu.memory_space<semaphore_mem>>) src(%dma_wait3A_426 : memref<128x32xf32, #tpu.memory_space<hbm>>) dst(%arg16 : memref<128x32xf32, #tpu.memory_space<vmem>>)
    }
    %scan3A_118 = arith.constant 3 : i32
    %dma_wait3A_119 = arith.constant 0 : i32
    %dma_wait3A_120 = arith.constant 0 : i32
    %dma_wait3A_121 = tpu.memref_slice %arg7[%dma_wait3A_119, %dma_wait3A_120] : memref<100000x32xf32, #tpu.memory_space<hbm>> -> memref<128x32xf32, #tpu.memory_space<hbm>>
    %dma_wait3A_122 = arith.constant 0 : i32
    %dma_wait3A_123 = arith.constant 0 : i32
    %dma_wait3A_124 = tpu.memref_slice %arg7[%dma_wait3A_122, %dma_wait3A_123] : memref<100000x32xf32, #tpu.memory_space<hbm>> -> memref<128x32xf32, #tpu.memory_space<hbm>>
    tpu.wait_dma2 semaphore(%arg18 : memref<!tpu.dma_semaphore, #tpu.memory_space<semaphore_mem>>) src(%dma_wait3A_124 : memref<128x32xf32, #tpu.memory_space<hbm>>) dst(%arg16 : memref<128x32xf32, #tpu.memory_space<vmem>>)
    %dma_wait3A_125 = arith.constant 0 : i32
    %dma_wait3A_126 = arith.constant 0 : i32
    %dma_wait3A_127 = tpu.memref_slice %arg7[%dma_wait3A_125, %dma_wait3A_126] : memref<100000x32xf32, #tpu.memory_space<hbm>> -> memref<128x32xf32, #tpu.memory_space<hbm>>
    %dma_wait3A_128 = arith.constant 0 : i32
    %dma_wait3A_129 = arith.constant 0 : i32
    %dma_wait3A_130 = tpu.memref_slice %arg7[%dma_wait3A_128, %dma_wait3A_129] : memref<100000x32xf32, #tpu.memory_space<hbm>> -> memref<128x32xf32, #tpu.memory_space<hbm>>
    tpu.wait_dma2 semaphore(%arg18 : memref<!tpu.dma_semaphore, #tpu.memory_space<semaphore_mem>>) src(%dma_wait3A_130 : memref<128x32xf32, #tpu.memory_space<hbm>>) dst(%arg16 : memref<128x32xf32, #tpu.memory_space<vmem>>)
    %dma_wait3A_131 = arith.constant 0 : i32
    %dma_wait3A_132 = arith.constant 0 : i32
    %dma_wait3A_133 = tpu.memref_slice %arg7[%dma_wait3A_131, %dma_wait3A_132] : memref<100000x32xf32, #tpu.memory_space<hbm>> -> memref<128x32xf32, #tpu.memory_space<hbm>>
    %dma_wait3A_134 = arith.constant 0 : i32
    %dma_wait3A_135 = arith.constant 0 : i32
    %dma_wait3A_136 = tpu.memref_slice %arg7[%dma_wait3A_134, %dma_wait3A_135] : memref<100000x32xf32, #tpu.memory_space<hbm>> -> memref<128x32xf32, #tpu.memory_space<hbm>>
    tpu.wait_dma2 semaphore(%arg18 : memref<!tpu.dma_semaphore, #tpu.memory_space<semaphore_mem>>) src(%dma_wait3A_136 : memref<128x32xf32, #tpu.memory_space<hbm>>) dst(%arg16 : memref<128x32xf32, #tpu.memory_space<vmem>>)
    %dma_wait3A_137 = arith.constant 0 : i32
    %dma_wait3A_138 = arith.constant 0 : i32
    %dma_wait3A_139 = tpu.memref_slice %arg7[%dma_wait3A_137, %dma_wait3A_138] : memref<100000x32xf32, #tpu.memory_space<hbm>> -> memref<128x32xf32, #tpu.memory_space<hbm>>
    %dma_wait3A_140 = arith.constant 0 : i32
    %dma_wait3A_141 = arith.constant 0 : i32
    %dma_wait3A_142 = tpu.memref_slice %arg7[%dma_wait3A_140, %dma_wait3A_141] : memref<100000x32xf32, #tpu.memory_space<hbm>> -> memref<128x32xf32, #tpu.memory_space<hbm>>
    tpu.wait_dma2 semaphore(%arg18 : memref<!tpu.dma_semaphore, #tpu.memory_space<semaphore_mem>>) src(%dma_wait3A_142 : memref<128x32xf32, #tpu.memory_space<hbm>>) dst(%arg16 : memref<128x32xf32, #tpu.memory_space<vmem>>)
    %dma_wait3A_143 = arith.constant 0 : i32
    %dma_wait3A_144 = arith.constant 0 : i32
    %dma_wait3A_145 = tpu.memref_slice %arg7[%dma_wait3A_143, %dma_wait3A_144] : memref<100000x32xf32, #tpu.memory_space<hbm>> -> memref<128x32xf32, #tpu.memory_space<hbm>>
    %dma_wait3A_146 = arith.constant 0 : i32
    %dma_wait3A_147 = arith.constant 0 : i32
    %dma_wait3A_148 = tpu.memref_slice %arg7[%dma_wait3A_146, %dma_wait3A_147] : memref<100000x32xf32, #tpu.memory_space<hbm>> -> memref<128x32xf32, #tpu.memory_space<hbm>>
    tpu.wait_dma2 semaphore(%arg18 : memref<!tpu.dma_semaphore, #tpu.memory_space<semaphore_mem>>) src(%dma_wait3A_148 : memref<128x32xf32, #tpu.memory_space<hbm>>) dst(%arg16 : memref<128x32xf32, #tpu.memory_space<vmem>>)
    %dma_wait3A_149 = arith.constant 0 : i32
    %dma_wait3A_150 = arith.constant 0 : i32
    %dma_wait3A_151 = tpu.memref_slice %arg7[%dma_wait3A_149, %dma_wait3A_150] : memref<100000x32xf32, #tpu.memory_space<hbm>> -> memref<128x32xf32, #tpu.memory_space<hbm>>
    %dma_wait3A_152 = arith.constant 0 : i32
    %dma_wait3A_153 = arith.constant 0 : i32
    %dma_wait3A_154 = tpu.memref_slice %arg7[%dma_wait3A_152, %dma_wait3A_153] : memref<100000x32xf32, #tpu.memory_space<hbm>> -> memref<128x32xf32, #tpu.memory_space<hbm>>
    tpu.wait_dma2 semaphore(%arg18 : memref<!tpu.dma_semaphore, #tpu.memory_space<semaphore_mem>>) src(%dma_wait3A_154 : memref<128x32xf32, #tpu.memory_space<hbm>>) dst(%arg16 : memref<128x32xf32, #tpu.memory_space<vmem>>)
    %dma_wait3A_155 = arith.constant 0 : i32
    %dma_wait3A_156 = arith.constant 0 : i32
    %dma_wait3A_157 = tpu.memref_slice %arg7[%dma_wait3A_155, %dma_wait3A_156] : memref<100000x32xf32, #tpu.memory_space<hbm>> -> memref<128x32xf32, #tpu.memory_space<hbm>>
    %dma_wait3A_158 = arith.constant 0 : i32
    %dma_wait3A_159 = arith.constant 0 : i32
    %dma_wait3A_160 = tpu.memref_slice %arg7[%dma_wait3A_158, %dma_wait3A_159] : memref<100000x32xf32, #tpu.memory_space<hbm>> -> memref<128x32xf32, #tpu.memory_space<hbm>>
    tpu.wait_dma2 semaphore(%arg18 : memref<!tpu.dma_semaphore, #tpu.memory_space<semaphore_mem>>) src(%dma_wait3A_160 : memref<128x32xf32, #tpu.memory_space<hbm>>) dst(%arg16 : memref<128x32xf32, #tpu.memory_space<vmem>>)
    %dma_wait3A_161 = arith.constant 0 : i32
    %dma_wait3A_162 = arith.constant 0 : i32
    %dma_wait3A_163 = tpu.memref_slice %arg7[%dma_wait3A_161, %dma_wait3A_162] : memref<100000x32xf32, #tpu.memory_space<hbm>> -> memref<128x32xf32, #tpu.memory_space<hbm>>
    %dma_wait3A_164 = arith.constant 0 : i32
    %dma_wait3A_165 = arith.constant 0 : i32
    %dma_wait3A_166 = tpu.memref_slice %arg7[%dma_wait3A_164, %dma_wait3A_165] : memref<100000x32xf32, #tpu.memory_space<hbm>> -> memref<128x32xf32, #tpu.memory_space<hbm>>
    tpu.wait_dma2 semaphore(%arg18 : memref<!tpu.dma_semaphore, #tpu.memory_space<semaphore_mem>>) src(%dma_wait3A_166 : memref<128x32xf32, #tpu.memory_space<hbm>>) dst(%arg16 : memref<128x32xf32, #tpu.memory_space<vmem>>)
    %dma_wait3A_167 = arith.constant 0 : i32
    %dma_wait3A_168 = arith.constant 0 : i32
    %dma_wait3A_169 = tpu.memref_slice %arg7[%dma_wait3A_167, %dma_wait3A_168] : memref<100000x32xf32, #tpu.memory_space<hbm>> -> memref<128x32xf32, #tpu.memory_space<hbm>>
    %dma_wait3A_170 = arith.constant 0 : i32
    %dma_wait3A_171 = arith.constant 0 : i32
    %dma_wait3A_172 = tpu.memref_slice %arg7[%dma_wait3A_170, %dma_wait3A_171] : memref<100000x32xf32, #tpu.memory_space<hbm>> -> memref<128x32xf32, #tpu.memory_space<hbm>>
    tpu.wait_dma2 semaphore(%arg18 : memref<!tpu.dma_semaphore, #tpu.memory_space<semaphore_mem>>) src(%dma_wait3A_172 : memref<128x32xf32, #tpu.memory_space<hbm>>) dst(%arg16 : memref<128x32xf32, #tpu.memory_space<vmem>>)
    %dma_wait3A_173 = arith.constant 0 : i32
    %dma_wait3A_174 = arith.constant 0 : i32
    %dma_wait3A_175 = tpu.memref_slice %arg7[%dma_wait3A_173, %dma_wait3A_174] : memref<100000x32xf32, #tpu.memory_space<hbm>> -> memref<128x32xf32, #tpu.memory_space<hbm>>
    %dma_wait3A_176 = arith.constant 0 : i32
    %dma_wait3A_177 = arith.constant 0 : i32
    %dma_wait3A_178 = tpu.memref_slice %arg7[%dma_wait3A_176, %dma_wait3A_177] : memref<100000x32xf32, #tpu.memory_space<hbm>> -> memref<128x32xf32, #tpu.memory_space<hbm>>
    tpu.wait_dma2 semaphore(%arg18 : memref<!tpu.dma_semaphore, #tpu.memory_space<semaphore_mem>>) src(%dma_wait3A_178 : memref<128x32xf32, #tpu.memory_space<hbm>>) dst(%arg16 : memref<128x32xf32, #tpu.memory_space<vmem>>)
    %dma_wait3A_179 = arith.constant 0 : i32
    %dma_wait3A_180 = arith.constant 0 : i32
    %dma_wait3A_181 = tpu.memref_slice %arg7[%dma_wait3A_179, %dma_wait3A_180] : memref<100000x32xf32, #tpu.memory_space<hbm>> -> memref<128x32xf32, #tpu.memory_space<hbm>>
    %dma_wait3A_182 = arith.constant 0 : i32
    %dma_wait3A_183 = arith.constant 0 : i32
    %dma_wait3A_184 = tpu.memref_slice %arg7[%dma_wait3A_182, %dma_wait3A_183] : memref<100000x32xf32, #tpu.memory_space<hbm>> -> memref<128x32xf32, #tpu.memory_space<hbm>>
    tpu.wait_dma2 semaphore(%arg18 : memref<!tpu.dma_semaphore, #tpu.memory_space<semaphore_mem>>) src(%dma_wait3A_184 : memref<128x32xf32, #tpu.memory_space<hbm>>) dst(%arg16 : memref<128x32xf32, #tpu.memory_space<vmem>>)
    %dma_wait3A_185 = arith.constant 0 : i32
    %dma_wait3A_186 = arith.constant 0 : i32
    %dma_wait3A_187 = tpu.memref_slice %arg7[%dma_wait3A_185, %dma_wait3A_186] : memref<100000x32xf32, #tpu.memory_space<hbm>> -> memref<128x32xf32, #tpu.memory_space<hbm>>
    %dma_wait3A_188 = arith.constant 0 : i32
    %dma_wait3A_189 = arith.constant 0 : i32
    %dma_wait3A_190 = tpu.memref_slice %arg7[%dma_wait3A_188, %dma_wait3A_189] : memref<100000x32xf32, #tpu.memory_space<hbm>> -> memref<128x32xf32, #tpu.memory_space<hbm>>
    tpu.wait_dma2 semaphore(%arg18 : memref<!tpu.dma_semaphore, #tpu.memory_space<semaphore_mem>>) src(%dma_wait3A_190 : memref<128x32xf32, #tpu.memory_space<hbm>>) dst(%arg16 : memref<128x32xf32, #tpu.memory_space<vmem>>)
    %dma_wait3A_191 = arith.constant 0 : i32
    %dma_wait3A_192 = arith.constant 0 : i32
    %dma_wait3A_193 = tpu.memref_slice %arg7[%dma_wait3A_191, %dma_wait3A_192] : memref<100000x32xf32, #tpu.memory_space<hbm>> -> memref<128x32xf32, #tpu.memory_space<hbm>>
    %dma_wait3A_194 = arith.constant 0 : i32
    %dma_wait3A_195 = arith.constant 0 : i32
    %dma_wait3A_196 = tpu.memref_slice %arg7[%dma_wait3A_194, %dma_wait3A_195] : memref<100000x32xf32, #tpu.memory_space<hbm>> -> memref<128x32xf32, #tpu.memory_space<hbm>>
    tpu.wait_dma2 semaphore(%arg18 : memref<!tpu.dma_semaphore, #tpu.memory_space<semaphore_mem>>) src(%dma_wait3A_196 : memref<128x32xf32, #tpu.memory_space<hbm>>) dst(%arg16 : memref<128x32xf32, #tpu.memory_space<vmem>>)
    %broadcast_in_dim3A = arith.constant 2.000000e-02 : f32
    %broadcast_in_dim3A_197 = vector.broadcast %broadcast_in_dim3A : f32 to vector<16xf32>
    %scan3A_198 = arith.constant 0 : i32
    %scan3A_199 = arith.constant 0 : i32
    %scan3A_200 = arith.constant 128 : i32
    %scan3A_201 = arith.addi %scan3A_199, %scan3A_200 : i32
    %scan3A_202 = arith.constant 1 : i32
    scf.for %scan3A_210 = %scan3A_199 to %scan3A_201 step %scan3A_202  : i32 {
      %get3A = arith.index_cast %scan3A_210 : i32 to index
      %get3A_211 = arith.constant 0 : index
      %get3A_212 = tpu.vector_load %arg16[%get3A, %get3A_211] {strides = array<i32>} : memref<128x32xf32, #tpu.memory_space<vmem>>, vector<1x16xf32>,
      %get3A_213 = vector.shape_cast %get3A_212 : vector<1x16xf32> to vector<16xf32>
      %mul3A_214 = arith.mulf %get3A_213, %broadcast_in_dim3A_197 : vector<16xf32>
      %swap3A = arith.index_cast %scan3A_210 : i32 to index
      %swap3A_215 = arith.constant 0 : index
      %swap3A_216 = tpu.vector_load %arg16[%swap3A, %swap3A_215] {strides = array<i32>} : memref<128x32xf32, #tpu.memory_space<vmem>>, vector<1x16xf32>,
      %swap3A_217 = vector.shape_cast %swap3A_216 : vector<1x16xf32> to vector<16xf32>
      %swap3A_218 = vector.shape_cast %mul3A_214 : vector<16xf32> to vector<1x16xf32>
      tpu.vector_store %arg16[%swap3A, %swap3A_215], %swap3A_218 {strides = array<i32>} : memref<128x32xf32, #tpu.memory_space<vmem>>, vector<1x16xf32>,
      %get3A_219 = arith.index_cast %scan3A_210 : i32 to index
      %get3A_220 = arith.constant 16 : index
      %get3A_221 = tpu.vector_load %arg16[%get3A_219, %get3A_220] {strides = array<i32>} : memref<128x32xf32, #tpu.memory_space<vmem>>, vector<1x16xf32>,
      %get3A_222 = vector.shape_cast %get3A_221 : vector<1x16xf32> to vector<16xf32>
      %mul3A_223 = arith.mulf %get3A_222, %broadcast_in_dim3A_197 : vector<16xf32>
      %swap3A_224 = arith.index_cast %scan3A_210 : i32 to index
      %swap3A_225 = arith.constant 16 : index
      %swap3A_226 = tpu.vector_load %arg16[%swap3A_224, %swap3A_225] {strides = array<i32>} : memref<128x32xf32, #tpu.memory_space<vmem>>, vector<1x16xf32>,
      %swap3A_227 = vector.shape_cast %swap3A_226 : vector<1x16xf32> to vector<16xf32>
      %swap3A_228 = vector.shape_cast %mul3A_223 : vector<16xf32> to vector<1x16xf32>
      tpu.vector_store %arg16[%swap3A_224, %swap3A_225], %swap3A_228 {strides = array<i32>} : memref<128x32xf32, #tpu.memory_space<vmem>>, vector<1x16xf32>,
    }
    %scan3A_203 = arith.constant 128 : i32
    %dma_wait3A_204 = arith.constant 0 : i32
    %dma_wait3A_205 = arith.constant 0 : i32
    %dma_wait3A_206 = tpu.memref_slice %arg5[%dma_wait3A_204, %dma_wait3A_205] : memref<1000000x32xf32, #tpu.memory_space<hbm>> -> memref<1000000x32xf32, #tpu.memory_space<hbm>>
    tpu.wait_indirect_dma semaphore(%arg17 : memref<!tpu.dma_semaphore, #tpu.memory_space<semaphore_mem>>) src(%dma_wait3A_206 : memref<1000000x32xf32, #tpu.memory_space<hbm>>) dst(%arg14 : memref<128x32xf32, #tpu.memory_space<vmem>>)
    %dma_wait3A_207 = arith.constant 0 : i32
    %dma_wait3A_208 = arith.constant 0 : i32
    %dma_wait3A_209 = tpu.memref_slice %arg6[%dma_wait3A_207, %dma_wait3A_208] : memref<100000x32xf32, #tpu.memory_space<hbm>> -> memref<100000x32xf32, #tpu.memory_space<hbm>>
    tpu.wait_indirect_dma semaphore(%arg17 : memref<!tpu.dma_semaphore, #tpu.memory_space<semaphore_mem>>) src(%dma_wait3A_209 : memref<100000x32xf32, #tpu.memory_space<hbm>>) dst(%arg15 : memref<128x32xf32, #tpu.memory_space<vmem>>)
    "tpu.region"() ({
      %run_scoped3A = tpu.sem_alloc : memref<!tpu.dma_semaphore, #tpu.memory_space<semaphore_mem>>
      %dma_start3A_210 = arith.constant 0 : i32
      %dma_start3A_211 = tpu.memref_slice %arg8[%mul3A_2, %dma_start3A_210] : memref<4096x32xf32, #tpu.memory_space<hbm>> -> memref<128x32xf32, #tpu.memory_space<hbm>>
      %dma_start3A_212 = arith.constant 0 : i32
      %dma_start3A_213 = tpu.memref_slice %arg8[%mul3A_2, %dma_start3A_212] : memref<4096x32xf32, #tpu.memory_space<hbm>> -> memref<128x32xf32, #tpu.memory_space<hbm>>
      tpu.enqueue_dma source(%arg14 : memref<128x32xf32, #tpu.memory_space<vmem>>) target(%dma_start3A_213 : memref<128x32xf32, #tpu.memory_space<hbm>>) target_semaphore(%run_scoped3A : memref<!tpu.dma_semaphore, #tpu.memory_space<semaphore_mem>>)
      %dma_wait3A_214 = arith.constant 0 : i32
      %dma_wait3A_215 = tpu.memref_slice %arg8[%mul3A_2, %dma_wait3A_214] : memref<4096x32xf32, #tpu.memory_space<hbm>> -> memref<128x32xf32, #tpu.memory_space<hbm>>
      %dma_wait3A_216 = arith.constant 0 : i32
      %dma_wait3A_217 = tpu.memref_slice %arg8[%mul3A_2, %dma_wait3A_216] : memref<4096x32xf32, #tpu.memory_space<hbm>> -> memref<128x32xf32, #tpu.memory_space<hbm>>
      tpu.wait_dma2 semaphore(%run_scoped3A : memref<!tpu.dma_semaphore, #tpu.memory_space<semaphore_mem>>) src(%arg14 : memref<128x32xf32, #tpu.memory_space<vmem>>) dst(%dma_wait3A_217 : memref<128x32xf32, #tpu.memory_space<hbm>>)
      tpu.yield
    }) : () -> ()
    "tpu.region"() ({
      %run_scoped3A = tpu.sem_alloc : memref<!tpu.dma_semaphore, #tpu.memory_space<semaphore_mem>>
      %dma_start3A_210 = arith.constant 0 : i32
      %dma_start3A_211 = tpu.memref_slice %arg9[%mul3A_2, %dma_start3A_210] : memref<4096x32xf32, #tpu.memory_space<hbm>> -> memref<128x32xf32, #tpu.memory_space<hbm>>
      %dma_start3A_212 = arith.constant 0 : i32
      %dma_start3A_213 = tpu.memref_slice %arg9[%mul3A_2, %dma_start3A_212] : memref<4096x32xf32, #tpu.memory_space<hbm>> -> memref<128x32xf32, #tpu.memory_space<hbm>>
      tpu.enqueue_dma source(%arg15 : memref<128x32xf32, #tpu.memory_space<vmem>>) target(%dma_start3A_213 : memref<128x32xf32, #tpu.memory_space<hbm>>) target_semaphore(%run_scoped3A : memref<!tpu.dma_semaphore, #tpu.memory_space<semaphore_mem>>)
      %dma_wait3A_214 = arith.constant 0 : i32
      %dma_wait3A_215 = tpu.memref_slice %arg9[%mul3A_2, %dma_wait3A_214] : memref<4096x32xf32, #tpu.memory_space<hbm>> -> memref<128x32xf32, #tpu.memory_space<hbm>>
      %dma_wait3A_216 = arith.constant 0 : i32
      %dma_wait3A_217 = tpu.memref_slice %arg9[%mul3A_2, %dma_wait3A_216] : memref<4096x32xf32, #tpu.memory_space<hbm>> -> memref<128x32xf32, #tpu.memory_space<hbm>>
      tpu.wait_dma2 semaphore(%run_scoped3A : memref<!tpu.dma_semaphore, #tpu.memory_space<semaphore_mem>>) src(%arg15 : memref<128x32xf32, #tpu.memory_space<vmem>>) dst(%dma_wait3A_217 : memref<128x32xf32, #tpu.memory_space<hbm>>)
      tpu.yield
    }) : () -> ()
    "tpu.region"() ({
      %run_scoped3A = tpu.sem_alloc : memref<!tpu.dma_semaphore, #tpu.memory_space<semaphore_mem>>
      %dma_start3A_210 = arith.constant 0 : i32
      %dma_start3A_211 = tpu.memref_slice %arg10[%mul3A_2, %dma_start3A_210] : memref<4096x32xf32, #tpu.memory_space<hbm>> -> memref<128x32xf32, #tpu.memory_space<hbm>>
      %dma_start3A_212 = arith.constant 0 : i32
      %dma_start3A_213 = tpu.memref_slice %arg10[%mul3A_2, %dma_start3A_212] : memref<4096x32xf32, #tpu.memory_space<hbm>> -> memref<128x32xf32, #tpu.memory_space<hbm>>
      tpu.enqueue_dma source(%arg16 : memref<128x32xf32, #tpu.memory_space<vmem>>) target(%dma_start3A_213 : memref<128x32xf32, #tpu.memory_space<hbm>>) target_semaphore(%run_scoped3A : memref<!tpu.dma_semaphore, #tpu.memory_space<semaphore_mem>>)
      %dma_wait3A_214 = arith.constant 0 : i32
      %dma_wait3A_215 = tpu.memref_slice %arg10[%mul3A_2, %dma_wait3A_214] : memref<4096x32xf32, #tpu.memory_space<hbm>> -> memref<128x32xf32, #tpu.memory_space<hbm>>
      %dma_wait3A_216 = arith.constant 0 : i32
      %dma_wait3A_217 = tpu.memref_slice %arg10[%mul3A_2, %dma_wait3A_216] : memref<4096x32xf32, #tpu.memory_space<hbm>> -> memref<128x32xf32, #tpu.memory_space<hbm>>
      tpu.wait_dma2 semaphore(%run_scoped3A : memref<!tpu.dma_semaphore, #tpu.memory_space<semaphore_mem>>) src(%arg16 : memref<128x32xf32, #tpu.memory_space<vmem>>) dst(%dma_wait3A_217 : memref<128x32xf32, #tpu.memory_space<hbm>>)
      tpu.yield
    }) : () -> ()
    return
  }
}

</mosaic_0001>

<sc_bundles>
// kernel: kernel.3.cloned.1.call-start
scs
__scs_entry_jumppad:
0x0: {  	(pc) =	sbr.rel $0x88, $3  }
0x1: {  	(tag) =	ssettag $0x0;
	lr =	simm.s32 $0x1  }
0x2: {  	[smem:$0x3F9B] =	sst lr;
	_ =	strace $0xD0000000  }
0x3: {  	_ = 	snop  }
0x4: {  	_ = 	snop  }
0x5: {  	_ = 	snop  }
0x6: {  	_ = 	snop  }
0x7: {  	_ = 	snop  }
__scs_overlays_trampoline_lowered:
0x8: {  	[smem:$0x3FAA] =	sst s0  }
0x9: {  	[smem:$0x3FAB] =	sst s1  }
0xa: {  	[smem:$0x3FAC] =	sst s2  }
0xb: {  	[smem:$0x3FAD] =	sst s3  }
0xc: {  	[smem:$0x3FAE] =	sst s4  }
0xd: {  	[smem:$0x3FAF] =	sst s5  }
0xe: {  	[smem:$0x3FB0] =	sst s6  }
0xf: {  	[smem:$0x3FB1] =	sst s7  }
0x10: {  	[smem:$0x3FB2] =	sst s8  }
0x11: {  	[smem:$0x3FB3] =	sst s9;
	s0 =	simm.s32 @!p0 $0x0  }
0x12: {  	s1 =	sld [smem:$0x3F99];
	s0 =	simm.s32 @p0 $0x1  }
0x13: {  	[smem:$0x3FB4] =	sst s0;
	s0 =	simm.s32 @!p1 $0x0  }
0x14: {  	s2 =	sld [smem:$0x3F98];
	s0 =	simm.s32 @p1 $0x1  }
0x15: {  	[smem:$0x3FB5] =	sst s0;
	s0 =	simm.s32 @!p2 $0x0  }
0x16: {  	s3 =	sld [smem:$0x3FDB];
	s0 =	simm.s32 @p2 $0x1  }
0x17: {  	s4 =	simm.s32 $0x1BF5;
	[smem:$0x3FB7] =	sst s0  }
0x18: {  	s0 =	sld [smem:$0x3F9A];
	_ =	swait.ge [sflag:s4], $0x0  }
0x19: {  	s7 =	sld [smem:$0x3F9B]  }
0x1a: {  	s8 =	sadd.s32 $0xFFFFE003, lr  }
0x1b: {  	s9 =	sadd.s32 $0xFFFFFEF7, lr;
	s5 =	simm.s32 $0xFFFFFFFF;
	p2 =	slt.u32 s8, $0xFFFFF086  }
0x1c: {  	p1 =	slt.u32 s9, $0xF7A;
	s5 =	simm.s32 @!p2 $0x0  }
0x1d: {  	s5 =	simm.s32 @p1 $0x1;
	p0 =	seq.s32 s7, s2  }
0x1e: {  	s7 =	smul.u32 @!p0 $0xF7A, s2;
	p2 =	seq.s32 @!p0 s5, $0x0  }
0x1f: {  	s9 =	smul.u32 $0xF7A, s1;
	s8 =	simm.s32 @!p0 $0x1BF5;
	p2 =	por !p2, p0  }
0x20: {  	[sflag:s8] =	ssyncset.s32 @!p0 $0xFFFFF086;
	s6 =	sadd.s32 @!p0 s3, s7;
	s7 =	simm.s32 @!p0 $0x108  }
0x21: {  	s3 =	sadd.s32 s3, s9;
	s6 =	sadd.s32 @!p0 $0x88, s6;
	s7 =	simm.s32 @p2 $0x1082  }
0x22: {  	[simem:s7], [sflag:s8] =	dma.local @!p0 [hbm:s6], $0xF7A  }
0x23: {  	s9 =	sor.u32 $0xD0000000, s2;
	s6 =	simm.s32 $0x108;
	_ =	swait.ge @!p0 [sflag:s8], $0x0  }
0x24: {  	s3 =	sadd.s32 $0x88, s3;
	s6 =	simm.s32 @!p1 $0x1082;
	[sflag:s4] =	ssyncset.s32 $0xFFFFF086  }
0x25: {  	[simem:s6], [sflag:s4] =	dma.local [hbm:s3], $0xF7A  }
0x26: {  	[smem:$0x3F9B] =	sst s1;
	(tag) =	ssettag s2;
	_ =	strace s9  }
0x27: {  	s1 =	sld [smem:$0x3FAB]  }
0x28: {  	s2 =	sld [smem:$0x3FAC]  }
0x29: {  	s4 =	sld [smem:$0x3FAE]  }
0x2a: {  	p0 =	seq.s32 s5, $0x0;
	s5 =	sld [smem:$0x3FAF]  }
0x2b: {  	s6 =	sld [smem:$0x3FB0]  }
0x2c: {  	s7 =	sld [smem:$0x3FB1]  }
0x2d: {  	s3 =	simm.s32 $0x108;
	s8 =	sld [smem:$0x3FB2]  }
0x2e: {  	s3 =	simm.s32 @!p0 $0x1082;
	s9 =	sld [smem:$0x3FB3]  }
0x2f: {  	lr =	sadd.s32 s0, s3;
	s0 =	sld [smem:$0x3FAA]  }
0x30: {  	s3 =	sld [smem:$0x3FAD]  }
0x31: {  	[smem:$0x3FB6] =	sst s10  }
0x32: {  	s10 =	sld [smem:$0x3FB4];
	_ =	sdelay $0x3  }
0x33: {  	p0 =	seq.s32 s10, $0x1;
	s10 =	sld [smem:$0x3FB6];
	_ =	sdelay $0x3  }
0x34: {  	[smem:$0x3FB6] =	sst s10  }
0x35: {  	s10 =	sld [smem:$0x3FB5];
	_ =	sdelay $0x3  }
0x36: {  	p1 =	seq.s32 s10, $0x1;
	s10 =	sld [smem:$0x3FB6];
	_ =	sdelay $0x3  }
0x37: {  	[smem:$0x3FB6] =	sst s10  }
0x38: {  	s10 =	sld [smem:$0x3FB7]  }
0x39: {  	_ = 	snop;
	(pc) =	sbr.ind lr, $3  }
0x3a: {  	_ = 	snop  }
0x3b: {  	_ = 	snop  }
0x3c: {  	p2 =	seq.s32 s10, $0x1;
	s10 =	sld [smem:$0x3FB6]  }
0x3d: {  	_ =	shalt  }
0x3e: {  	_ =	shalt  }
0x3f: {  	_ =	shalt  }
0x40: {  	_ =	shalt  }
0x41: {  	_ =	shalt  }
0x42: {  	_ =	shalt  }
0x43: {  	_ =	shalt  }
0x44: {  	_ =	shalt  }
0x45: {  	_ =	shalt  }
0x46: {  	_ =	shalt  }
0x47: {  	_ =	shalt  }
0x48: {  	_ =	shalt  }
0x49: {  	_ =	shalt  }
0x4a: {  	_ =	shalt  }
0x4b: {  	_ =	shalt  }
0x4c: {  	_ =	shalt  }
0x4d: {  	_ =	shalt  }
0x4e: {  	_ =	shalt  }
0x4f: {  	_ =	shalt  }
0x50: {  	_ =	shalt  }
0x51: {  	_ =	shalt  }
0x52: {  	_ =	shalt  }
0x53: {  	_ =	shalt  }
0x54: {  	_ =	shalt  }
0x55: {  	_ =	shalt  }
0x56: {  	_ =	shalt  }
0x57: {  	_ =	shalt  }
0x58: {  	_ =	shalt  }
0x59: {  	_ =	shalt  }
0x5a: {  	_ =	shalt  }
0x5b: {  	_ =	shalt  }
0x5c: {  	_ =	shalt  }
0x5d: {  	_ =	shalt  }
0x5e: {  	_ =	shalt  }
0x5f: {  	_ =	shalt  }
0x60: {  	_ =	shalt  }
0x61: {  	_ =	shalt  }
0x62: {  	_ =	shalt  }
0x63: {  	_ =	shalt  }
0x64: {  	_ =	shalt  }
0x65: {  	_ =	shalt  }
0x66: {  	_ =	shalt  }
0x67: {  	_ =	shalt  }
0x68: {  	_ =	shalt  }
0x69: {  	_ =	shalt  }
0x6a: {  	_ =	shalt  }
0x6b: {  	_ =	shalt  }
0x6c: {  	_ =	shalt  }
0x6d: {  	_ =	shalt  }
0x6e: {  	_ =	shalt  }
0x6f: {  	_ =	shalt  }
0x70: {  	_ =	shalt  }
0x71: {  	_ =	shalt  }
0x72: {  	_ =	shalt  }
0x73: {  	_ =	shalt  }
0x74: {  	_ =	shalt  }
0x75: {  	_ =	shalt  }
0x76: {  	_ =	shalt  }
0x77: {  	_ =	shalt  }
0x78: {  	_ =	shalt  }
0x79: {  	_ =	shalt  }
0x7a: {  	_ =	shalt  }
0x7b: {  	_ =	shalt  }
0x7c: {  	_ =	shalt  }
0x7d: {  	_ =	shalt  }
0x7e: {  	_ =	shalt  }
0x7f: {  	_ =	shalt  }
0x80: {  	_ =	shalt  }
0x81: {  	_ =	shalt  }
0x82: {  	_ =	shalt  }
0x83: {  	_ =	shalt  }
0x84: {  	_ =	shalt  }
0x85: {  	_ =	shalt  }
0x86: {  	_ =	shalt  }
0x87: {  	_ =	shalt  }
.Lfunc_end0:
.L_simem_size_0:
called_computation_lowered:
.L_overlay_start_0:
0x88: {  	s2 =	sld [smem:$0x3FD9]  }
0x89: {  	s3 =	sld [smem:$0x3FFE];
	_ =	sdelay $0x1  }
0x8a: {  	s1 =	srdreg.scid  }
0x8b: {  	s0 =	sand.u32 $0x1, s1  }
0x8c: {  	s17 =	sshll.u32 s0, $0xA;
	s2 =	sadd.s32 s3, s2  }
0x8d: {  	s2 =	sadd.s32 s2, s17  }
0x8e: {  	[smem:$0x3FC2] =	sst s2  }
0x8f: {  	_ = 	snop  }
0x90: {  	s2 =	sld [smem:$0x3FC9]  }
0x91: {  	s18 =	sld [smem:$0x3FC8]  }
0x92: {  	s4 =	sld [smem:$0x3FD0];
	(tm) =	ssettm $0x1  }
0x93: {  	s5 =	sld [smem:$0x3FFB];
	_ =	sdelay $0x3  }
0x94: {  	_ =	strace s5  }
0x95: {  	s5 =	sld [smem:$0x3FFC];
	_ =	sdelay $0x3  }
0x96: {  	_ =	strace s5  }
0x97: {  	s5 =	sld [smem:$0x3FFD];
	_ =	sdelay $0x3  }
0x98: {  	_ =	strace s5  }
0x99: {  	_ =	strace $0x8FFFFFFF  }
0x9a: {  	s19 =	sld [smem:$0x3FDB];
	_ =	sdelay $0x1  }
0x9b: {  	s6 =	simm.s32 $_scs_section_size  }
0x9c: {  	s7 =	simm.s32 $_size__tile_overlayer_lowered;
	s8 =	simm.s32 $_tile_overlayer_lowered  }
0x9d: {  	s22 =	simm.s32 $0x1BFF;
	s21 =	sshll.u32 s8, $0x1;
	s5 =	sadd.s32 s6, s19  }
0x9e: {  	s9 =	simm.s32 $0x0;
	s20 =	sshll.u32 s7, $0x1;
	s7 =	sadd.s32 s21, s5  }
0x9f: {  	[timem:s9], [sflag:s22] =	dma.local [hbm:s7], s20  }
0xa0: {  	_ =	swait.ge [sflag:s22], s20  }
0xa1: {  	s6 =	ssub.s32 $0x0, s20;
	[sflag:s22] =	ssyncset.done $0x0  }
0xa2: {  	[sflag:s22] =	ssyncadd.s32 s6;
	_ =	sdelay $0x1  }
0xa3: {  	s23 =	simm.s32 $0x1B8B  }
0xa4: {  	_ =	swait.ge [sflag:s23], $0x1  }
0xa5: {  	[sflag:s23] =	ssyncset.done $0x0  }
0xa6: {  	s25 =	simm.s32 $0x1B8E;
	s24 =	sld [smem:$0x3FFE];
	[sflag:s23] =	ssyncadd.s32 $0xFFFFFFFF  }
0xa7: {  	s26 =	simm.s32 $execute0_lowered;
	[smem:$0x3FD2] =	sst s25  }
0xa8: {  	s7 =	sshll.u32 s26, $0x1;
	_ =	strace $0x80000046;
	[dreg:$0x1] =	wrdreg $0xFFFFFFFF  }
0xa9: {  	s28 =	simm.s32 $_size_execute0_lowered;
	s5 =	sadd.s32 s5, s7;
	[dreg:$0x0] =	wrdreg $0x0  }
0xaa: {  	s7 =	sshll.u32 s28, $0x1;
	[dreg:$0x2] =	wrdreg s5  }
0xab: {  	[dreg:$0x3] =	wrdreg s7  }
0xac: {  	[dreg:$0x4] =	wrdreg $0xC0  }
0xad: {  	_ =	task [dreg:s9], $0x5FFFF  }
0xae: {  	[dreg:$0x1] =	wrdreg $0xFFFFFFFF  }
0xaf: {  	[dreg:$0x0] =	wrdreg $0x60  }
0xb0: {  	[dreg:$0x2] =	wrdreg s2  }
0xb1: {  	[dreg:$0x3] =	wrdreg s18  }
0xb2: {  	[dreg:$0x4] =	wrdreg s4  }
0xb3: {  	[dreg:$0x5] =	wrdreg s24  }
0xb4: {  	[dreg:$0x6] =	wrdreg $0x9  }
0xb5: {  	_ =	task.clear_ibuf [dreg:s9], $0x7FFFF;
	_ =	strace $0x90000046  }
0xb6: {  	s29 =	simm.s32 $0x9;
	_ =	strace $0x80000048  }
0xb7: {  	_ =	swait.ge [sflag:s29], $0x1  }
0xb8: {  	[sflag:s29] =	ssyncadd.s32 $0xFFFFFFFF  }
0xb9: {  	_ =	strace $0x90000048  }
0xba: {  	_ =	sfence  }
0xbb: {  	s30 =	sld [smem:$0x0];
	_ =	sdelay $0x2  }
0xbc: {  	s31 =	sshll.u32 s1, $0xD;
	s1 =	sshrl.u32 s1, $0x2  }
0xbd: {  	s3 =	sand.u32 $0x4000, s31;
	s1 =	sadd.s32 s1, s30  }
0xbe: {  	s0 =	sor.u32 s3, s0;
	s1 =	sshll.u32 s1, $0x11  }
0xbf: {  	s0 =	sor.u32 s1, s0  }
0xc0: {  	s0 =	sadd.s32 $0x8F2B, s0  }
0xc1: {  	[sflag:s0] =	ssyncadd.remote.s32 $0x1  }
0xc2: {  	_ =	sfence.sel $0xFFFF  }
0xc3: {  	[dreg:$0x0] =	wrdreg $0xFFFFFFFF;
	(pc) =	sbr.abs _section_cstart, $3  }
0xc4: {  	[dreg:$0x1] =	wrdreg $0xFFFFFFFF  }
0xc5: {  	_ =	task.clear_ibuf [dreg:s9], $0x2FFFF;
	_ =	strace $0x9FFFFFFF  }
0xc6: {  	(tm) =	ssettm $0x7FFFFFFF  }
0xc7: {  	_ =	shalt  }
tec
execute0_lowered:
.L_overlay_start_1:
0x0: {  	(tag) =	ssettag $0x1  }
0x1: {  	s0 =	rddreg [dreg:$0x0]  }
0x2: {  	s1 =	rddreg [dreg:$0x1]  }
0x3: {  	s8 =	rddreg [dreg:$0x2]  }
0x4: {  	s6 =	rddreg [dreg:$0x3]  }
0x5: {  	s2 =	simm.s32 $0x0;
	s3 =	srdreg.scid;
	s4 =	stileid.u32  }
0x6: {  	s13 =	simm.s32 $0x3;
	s14 =	simm.s32 $0x80;
	s15 =	simm.s32 $0x100  }
0x7: {  	s16 =	simm.s32 $0x1A00;
	s17 =	simm.s32 $0x2A00;
	s18 =	simm.s32 $0x3A00  }
0x8: {  	s19 =	simm.s32 $0x2;
	s22 =	simm.s32 $0x1580;
	s23 =	simm.s32 $0x1600  }
0x9: {  	s28 =	simm.s32 $0x1800;
	s29 =	simm.s32 $0x1880;
	s30 =	simm.s32 $0x1900  }
0xa: {  	s31 =	simm.s32 $0x1;
	[smem:$0x7FF] =	sst s2;
	s7 =	sand.u32 $0x1, s3  }
0xb: {  	s24 =	sshll.u32 s4, $0x1;
	s3 =	sadd.s32 $0xF44000, s6;
	s4 =	sadd.s32 $0x1EA200, s6  }
0xc: {  	s5 =	sadd.s32 $0x188600, s6;
	_ =	strace $0x80000047;
	s9 =	sor.u32 s7, s24  }
0xd: {  	s25 =	ssub.s32 $0x2, s7;
	s24 =	simm.s32 $0x1680;
	s10 =	sshll.u32 s9, $0x9  }
0xe: {  	s7 =	sshrl.u32 s25, $0x1;
	s26 =	sshll.u32 s9, $0x4;
	s9 =	smul.u32 $0x320, s9  }
0xf: {  	s11 =	sadd.s32 s10, s6;
	s12 =	ssub.s32 s25, s7;
	s6 =	sadd.s32 s0, s26  }
0x10: {  	s7 =	sadd.s32 s1, s26;
	s25 =	simm.s32 $0x1700;
	s26 =	simm.s32 $0x1780  }
0x11: {  	s0 =	simm.s32 $0x0;
	s8 =	sadd.s32 s8, s9;
	s9 =	sadd.s32 $0x1C00, s11  }
0x12: {  	s10 =	sadd.s32 $0x5C00, s11;
	s11 =	sadd.s32 $0x9C00, s11;
	s12 =	smax.u32 s12, $0x1  }
.LBB2_1:
0x13: {  	[tilespmem:s2], [sflag:$0x3] =	stream.linear.gather [hbm4b:s6+s2], $0x80, $0x38;
	[tilespmem:$0x4A00] =	vst v63  }
0x14: {  	_ =	swait.ge [sflag:s13], $0x80  }
0x15: {  	[sflag:s13] =	ssyncset.done $0x0  }
0x16: {  	[sflag:s13] =	ssyncadd.s32 $0xFFFFFF80  }
0x17: {  	[tilespmem:s14], [sflag:$0x3] =	stream.linear.gather [hbm4b:s7+s2], $0x80, $0x38;
	[tilespmem:$0x4A00] =	vst v63  }
0x18: {  	_ =	swait.ge [sflag:s13], $0x80  }
0x19: {  	[sflag:s13] =	ssyncset.done $0x0  }
0x1a: {  	[sflag:s13] =	ssyncadd.s32 $0xFFFFFF80  }
0x1b: {  	[tilespmem:s15], [sflag:$0x3] =	stream.linear.gather [hbm4b:s8+s2], $0x1900, $0x38;
	[tilespmem:$0x4A00] =	vst v63  }
0x1c: {  	_ =	swait.ge [sflag:s13], $0x1900  }
0x1d: {  	[sflag:s13] =	ssyncset.done $0x0  }
0x1e: {  	[sflag:s13] =	ssyncadd.s32 $0xFFFFE700  }
0x1f: {  	[tilespmem:s16], [sflag:$0x1] =	stream.indirect.gather [hbm4b:s3+s14], $0x20, s2, s14, $0xb8;
	[tilespmem:$0x4A00] =	vst v63  }
0x20: {  	_ = 	snop  }
0x21: {  	[tilespmem:s17], [sflag:$0x1] =	stream.indirect.gather [hbm4b:s4+s14], $0x20, s14, s14, $0xb8;
	[tilespmem:$0x4A00] =	vst v63  }
0x22: {  	_ = 	snop  }
0x23: {  	[tilespmem:s18], [sflag:$0x2] =	stream.indirect.gather [hbm4b:s5+s14], $0x20, s15, s14, $0xb8;
	[tilespmem:$0x4A00] =	vst v63  }
0x24: {  	_ =	swait.ge [sflag:s19], $0x1000  }
0x25: {  	[sflag:s19] =	ssyncset.done $0x0  }
0x26: {  	s1 =	simm.s32 $0x1980;
	[sflag:s19] =	ssyncadd.s32 $0xFFFFF000  }
0x27: {  	[tilespmem:s18], [sflag:$0x2] =	stream.indirect.gather.add.f32 [hbm:s5], $0x20, s1, s14, $0xb8;
	[tilespmem:$0x4A00] =	vst v63  }
0x28: {  	s20 =	simm.s32 $0x180  }
0x29: {  	[tilespmem:s18], [sflag:$0x2] =	stream.indirect.gather.add.f32 [hbm:s5], $0x20, s20, s14, $0xb8;
	[tilespmem:$0x4A00] =	vst v63  }
0x2a: {  	s21 =	simm.s32 $0x200  }
0x2b: {  	[tilespmem:s18], [sflag:$0x2] =	stream.indirect.gather.add.f32 [hbm:s5], $0x20, s21, s14, $0xb8;
	[tilespmem:$0x4A00] =	vst v63  }
0x2c: {  	s20 =	simm.s32 $0x280  }
0x2d: {  	[tilespmem:s18], [sflag:$0x2] =	stream.indirect.gather.add.f32 [hbm:s5], $0x20, s20, s14, $0xb8;
	[tilespmem:$0x4A00] =	vst v63  }
0x2e: {  	s21 =	simm.s32 $0x300  }
0x2f: {  	[tilespmem:s18], [sflag:$0x2] =	stream.indirect.gather.add.f32 [hbm:s5], $0x20, s21, s14, $0xb8;
	[tilespmem:$0x4A00] =	vst v63  }
0x30: {  	s20 =	simm.s32 $0x380  }
0x31: {  	[tilespmem:s18], [sflag:$0x2] =	stream.indirect.gather.add.f32 [hbm:s5], $0x20, s20, s14, $0xb8;
	[tilespmem:$0x4A00] =	vst v63  }
0x32: {  	s21 =	simm.s32 $0x400  }
0x33: {  	[tilespmem:s18], [sflag:$0x2] =	stream.indirect.gather.add.f32 [hbm:s5], $0x20, s21, s14, $0xb8;
	[tilespmem:$0x4A00] =	vst v63  }
0x34: {  	s20 =	simm.s32 $0x480  }
0x35: {  	[tilespmem:s18], [sflag:$0x2] =	stream.indirect.gather.add.f32 [hbm:s5], $0x20, s20, s14, $0xb8;
	[tilespmem:$0x4A00] =	vst v63  }
0x36: {  	s21 =	simm.s32 $0x500  }
0x37: {  	[tilespmem:s18], [sflag:$0x2] =	stream.indirect.gather.add.f32 [hbm:s5], $0x20, s21, s14, $0xb8;
	[tilespmem:$0x4A00] =	vst v63  }
0x38: {  	s20 =	simm.s32 $0x580  }
0x39: {  	[tilespmem:s18], [sflag:$0x2] =	stream.indirect.gather.add.f32 [hbm:s5], $0x20, s20, s14, $0xb8;
	[tilespmem:$0x4A00] =	vst v63  }
0x3a: {  	s21 =	simm.s32 $0x600  }
0x3b: {  	[tilespmem:s18], [sflag:$0x2] =	stream.indirect.gather.add.f32 [hbm:s5], $0x20, s21, s14, $0xb8;
	[tilespmem:$0x4A00] =	vst v63  }
0x3c: {  	s20 =	simm.s32 $0x680  }
0x3d: {  	[tilespmem:s18], [sflag:$0x2] =	stream.indirect.gather.add.f32 [hbm:s5], $0x20, s20, s14, $0xb8;
	[tilespmem:$0x4A00] =	vst v63  }
0x3e: {  	s21 =	simm.s32 $0x700  }
0x3f: {  	[tilespmem:s18], [sflag:$0x2] =	stream.indirect.gather.add.f32 [hbm:s5], $0x20, s21, s14, $0xb8;
	[tilespmem:$0x4A00] =	vst v63  }
0x40: {  	s20 =	simm.s32 $0x780  }
0x41: {  	[tilespmem:s18], [sflag:$0x2] =	stream.indirect.gather.add.f32 [hbm:s5], $0x20, s20, s14, $0xb8;
	[tilespmem:$0x4A00] =	vst v63  }
0x42: {  	s21 =	simm.s32 $0x800  }
0x43: {  	[tilespmem:s18], [sflag:$0x2] =	stream.indirect.gather.add.f32 [hbm:s5], $0x20, s21, s14, $0xb8;
	[tilespmem:$0x4A00] =	vst v63  }
0x44: {  	s20 =	simm.s32 $0x880  }
0x45: {  	[tilespmem:s18], [sflag:$0x2] =	stream.indirect.gather.add.f32 [hbm:s5], $0x20, s20, s14, $0xb8;
	[tilespmem:$0x4A00] =	vst v63  }
0x46: {  	s21 =	simm.s32 $0x900  }
0x47: {  	[tilespmem:s18], [sflag:$0x2] =	stream.indirect.gather.add.f32 [hbm:s5], $0x20, s21, s14, $0xb8;
	[tilespmem:$0x4A00] =	vst v63  }
0x48: {  	s20 =	simm.s32 $0x980  }
0x49: {  	[tilespmem:s18], [sflag:$0x2] =	stream.indirect.gather.add.f32 [hbm:s5], $0x20, s20, s14, $0xb8;
	[tilespmem:$0x4A00] =	vst v63  }
0x4a: {  	s21 =	simm.s32 $0xA00  }
0x4b: {  	[tilespmem:s18], [sflag:$0x2] =	stream.indirect.gather.add.f32 [hbm:s5], $0x20, s21, s14, $0xb8;
	[tilespmem:$0x4A00] =	vst v63  }
0x4c: {  	s20 =	simm.s32 $0xA80  }
0x4d: {  	[tilespmem:s18], [sflag:$0x2] =	stream.indirect.gather.add.f32 [hbm:s5], $0x20, s20, s14, $0xb8;
	[tilespmem:$0x4A00] =	vst v63  }
0x4e: {  	s21 =	simm.s32 $0xB00  }
0x4f: {  	[tilespmem:s18], [sflag:$0x2] =	stream.indirect.gather.add.f32 [hbm:s5], $0x20, s21, s14, $0xb8;
	[tilespmem:$0x4A00] =	vst v63  }
0x50: {  	s20 =	simm.s32 $0xB80  }
0x51: {  	[tilespmem:s18], [sflag:$0x2] =	stream.indirect.gather.add.f32 [hbm:s5], $0x20, s20, s14, $0xb8;
	[tilespmem:$0x4A00] =	vst v63  }
0x52: {  	s21 =	simm.s32 $0xC00  }
0x53: {  	[tilespmem:s18], [sflag:$0x2] =	stream.indirect.gather.add.f32 [hbm:s5], $0x20, s21, s14, $0xb8;
	[tilespmem:$0x4A00] =	vst v63  }
0x54: {  	s20 =	simm.s32 $0xC80  }
0x55: {  	[tilespmem:s18], [sflag:$0x2] =	stream.indirect.gather.add.f32 [hbm:s5], $0x20, s20, s14, $0xb8;
	[tilespmem:$0x4A00] =	vst v63  }
0x56: {  	s21 =	simm.s32 $0xD00  }
0x57: {  	[tilespmem:s18], [sflag:$0x2] =	stream.indirect.gather.add.f32 [hbm:s5], $0x20, s21, s14, $0xb8;
	[tilespmem:$0x4A00] =	vst v63  }
0x58: {  	_ =	swait.ge [sflag:s19], $0x1000  }
0x59: {  	[sflag:s19] =	ssyncset.done $0x0  }
0x5a: {  	[sflag:s19] =	ssyncadd.s32 $0xFFFFF000  }
0x5b: {  	_ =	swait.ge [sflag:s19], $0x1000  }
0x5c: {  	[sflag:s19] =	ssyncset.done $0x0  }
0x5d: {  	[sflag:s19] =	ssyncadd.s32 $0xFFFFF000  }
0x5e: {  	_ =	swait.ge [sflag:s19], $0x1000  }
0x5f: {  	[sflag:s19] =	ssyncset.done $0x0  }
0x60: {  	[sflag:s19] =	ssyncadd.s32 $0xFFFFF000  }
0x61: {  	_ =	swait.ge [sflag:s19], $0x1000  }
0x62: {  	[sflag:s19] =	ssyncset.done $0x0  }
0x63: {  	[sflag:s19] =	ssyncadd.s32 $0xFFFFF000  }
0x64: {  	_ =	swait.ge [sflag:s19], $0x1000  }
0x65: {  	[sflag:s19] =	ssyncset.done $0x0  }
0x66: {  	[sflag:s19] =	ssyncadd.s32 $0xFFFFF000  }
0x67: {  	_ =	swait.ge [sflag:s19], $0x1000  }
0x68: {  	[sflag:s19] =	ssyncset.done $0x0  }
0x69: {  	[sflag:s19] =	ssyncadd.s32 $0xFFFFF000  }
0x6a: {  	_ =	swait.ge [sflag:s19], $0x1000  }
0x6b: {  	[sflag:s19] =	ssyncset.done $0x0  }
0x6c: {  	[sflag:s19] =	ssyncadd.s32 $0xFFFFF000  }
0x6d: {  	_ =	swait.ge [sflag:s19], $0x1000  }
0x6e: {  	[sflag:s19] =	ssyncset.done $0x0  }
0x6f: {  	[sflag:s19] =	ssyncadd.s32 $0xFFFFF000  }
0x70: {  	_ =	swait.ge [sflag:s19], $0x1000  }
0x71: {  	[sflag:s19] =	ssyncset.done $0x0  }
0x72: {  	[sflag:s19] =	ssyncadd.s32 $0xFFFFF000  }
0x73: {  	_ =	swait.ge [sflag:s19], $0x1000  }
0x74: {  	[sflag:s19] =	ssyncset.done $0x0  }
0x75: {  	[sflag:s19] =	ssyncadd.s32 $0xFFFFF000  }
0x76: {  	_ =	swait.ge [sflag:s19], $0x1000  }
0x77: {  	[sflag:s19] =	ssyncset.done $0x0  }
0x78: {  	[sflag:s19] =	ssyncadd.s32 $0xFFFFF000  }
0x79: {  	_ =	swait.ge [sflag:s19], $0x1000  }
0x7a: {  	[sflag:s19] =	ssyncset.done $0x0  }
0x7b: {  	s20 =	simm.s32 $0xD80;
	[sflag:s19] =	ssyncadd.s32 $0xFFFFF000  }
0x7c: {  	[tilespmem:s18], [sflag:$0x2] =	stream.indirect.gather.add.f32 [hbm:s5], $0x20, s20, s14, $0xb8;
	[tilespmem:$0x4A00] =	vst v63  }
0x7d: {  	s21 =	simm.s32 $0xE00  }
0x7e: {  	[tilespmem:s18], [sflag:$0x2] =	stream.indirect.gather.add.f32 [hbm:s5], $0x20, s21, s14, $0xb8;
	[tilespmem:$0x4A00] =	vst v63  }
0x7f: {  	s20 =	simm.s32 $0xE80  }
0x80: {  	[tilespmem:s18], [sflag:$0x2] =	stream.indirect.gather.add.f32 [hbm:s5], $0x20, s20, s14, $0xb8;
	[tilespmem:$0x4A00] =	vst v63  }
0x81: {  	s21 =	simm.s32 $0xF00  }
0x82: {  	[tilespmem:s18], [sflag:$0x2] =	stream.indirect.gather.add.f32 [hbm:s5], $0x20, s21, s14, $0xb8;
	[tilespmem:$0x4A00] =	vst v63  }
0x83: {  	s20 =	simm.s32 $0xF80  }
0x84: {  	[tilespmem:s18], [sflag:$0x2] =	stream.indirect.gather.add.f32 [hbm:s5], $0x20, s20, s14, $0xb8;
	[tilespmem:$0x4A00] =	vst v63  }
0x85: {  	s21 =	simm.s32 $0x1000  }
0x86: {  	[tilespmem:s18], [sflag:$0x2] =	stream.indirect.gather.add.f32 [hbm:s5], $0x20, s21, s14, $0xb8;
	[tilespmem:$0x4A00] =	vst v63  }
0x87: {  	s20 =	simm.s32 $0x1080  }
0x88: {  	[tilespmem:s18], [sflag:$0x2] =	stream.indirect.gather.add.f32 [hbm:s5], $0x20, s20, s14, $0xb8;
	[tilespmem:$0x4A00] =	vst v63  }
0x89: {  	s21 =	simm.s32 $0x1100  }
0x8a: {  	[tilespmem:s18], [sflag:$0x2] =	stream.indirect.gather.add.f32 [hbm:s5], $0x20, s21, s14, $0xb8;
	[tilespmem:$0x4A00] =	vst v63  }
0x8b: {  	s20 =	simm.s32 $0x1180  }
0x8c: {  	[tilespmem:s18], [sflag:$0x2] =	stream.indirect.gather.add.f32 [hbm:s5], $0x20, s20, s14, $0xb8;
	[tilespmem:$0x4A00] =	vst v63  }
0x8d: {  	s21 =	simm.s32 $0x1200  }
0x8e: {  	[tilespmem:s18], [sflag:$0x2] =	stream.indirect.gather.add.f32 [hbm:s5], $0x20, s21, s14, $0xb8;
	[tilespmem:$0x4A00] =	vst v63  }
0x8f: {  	s20 =	simm.s32 $0x1280  }
0x90: {  	[tilespmem:s18], [sflag:$0x2] =	stream.indirect.gather.add.f32 [hbm:s5], $0x20, s20, s14, $0xb8;
	[tilespmem:$0x4A00] =	vst v63  }
0x91: {  	s21 =	simm.s32 $0x1300  }
0x92: {  	[tilespmem:s18], [sflag:$0x2] =	stream.indirect.gather.add.f32 [hbm:s5], $0x20, s21, s14, $0xb8;
	[tilespmem:$0x4A00] =	vst v63  }
0x93: {  	_ =	swait.ge [sflag:s19], $0x1000  }
0x94: {  	[sflag:s19] =	ssyncset.done $0x0  }
0x95: {  	[sflag:s19] =	ssyncadd.s32 $0xFFFFF000  }
0x96: {  	_ =	swait.ge [sflag:s19], $0x1000  }
0x97: {  	[sflag:s19] =	ssyncset.done $0x0  }
0x98: {  	[sflag:s19] =	ssyncadd.s32 $0xFFFFF000  }
0x99: {  	_ =	swait.ge [sflag:s19], $0x1000  }
0x9a: {  	[sflag:s19] =	ssyncset.done $0x0  }
0x9b: {  	[sflag:s19] =	ssyncadd.s32 $0xFFFFF000  }
0x9c: {  	_ =	swait.ge [sflag:s19], $0x1000  }
0x9d: {  	[sflag:s19] =	ssyncset.done $0x0  }
0x9e: {  	[sflag:s19] =	ssyncadd.s32 $0xFFFFF000  }
0x9f: {  	_ =	swait.ge [sflag:s19], $0x1000  }
0xa0: {  	[sflag:s19] =	ssyncset.done $0x0  }
0xa1: {  	[sflag:s19] =	ssyncadd.s32 $0xFFFFF000  }
0xa2: {  	_ =	swait.ge [sflag:s19], $0x1000  }
0xa3: {  	[sflag:s19] =	ssyncset.done $0x0  }
0xa4: {  	[sflag:s19] =	ssyncadd.s32 $0xFFFFF000  }
0xa5: {  	_ =	swait.ge [sflag:s19], $0x1000  }
0xa6: {  	[sflag:s19] =	ssyncset.done $0x0  }
0xa7: {  	[sflag:s19] =	ssyncadd.s32 $0xFFFFF000  }
0xa8: {  	_ =	swait.ge [sflag:s19], $0x1000  }
0xa9: {  	[sflag:s19] =	ssyncset.done $0x0  }
0xaa: {  	[sflag:s19] =	ssyncadd.s32 $0xFFFFF000  }
0xab: {  	_ =	swait.ge [sflag:s19], $0x1000  }
0xac: {  	[sflag:s19] =	ssyncset.done $0x0  }
0xad: {  	[sflag:s19] =	ssyncadd.s32 $0xFFFFF000  }
0xae: {  	_ =	swait.ge [sflag:s19], $0x1000  }
0xaf: {  	[sflag:s19] =	ssyncset.done $0x0  }
0xb0: {  	[sflag:s19] =	ssyncadd.s32 $0xFFFFF000  }
0xb1: {  	_ =	swait.ge [sflag:s19], $0x1000  }
0xb2: {  	[sflag:s19] =	ssyncset.done $0x0  }
0xb3: {  	[sflag:s19] =	ssyncadd.s32 $0xFFFFF000  }
0xb4: {  	_ =	swait.ge [sflag:s19], $0x1000  }
0xb5: {  	[sflag:s19] =	ssyncset.done $0x0  }
0xb6: {  	s20 =	simm.s32 $0x1380;
	[sflag:s19] =	ssyncadd.s32 $0xFFFFF000  }
0xb7: {  	[tilespmem:s18], [sflag:$0x2] =	stream.indirect.gather.add.f32 [hbm:s5], $0x20, s20, s14, $0xb8;
	[tilespmem:$0x4A00] =	vst v63  }
0xb8: {  	s21 =	simm.s32 $0x1400  }
0xb9: {  	[tilespmem:s18], [sflag:$0x2] =	stream.indirect.gather.add.f32 [hbm:s5], $0x20, s21, s14, $0xb8;
	[tilespmem:$0x4A00] =	vst v63  }
0xba: {  	s20 =	simm.s32 $0x1480  }
0xbb: {  	[tilespmem:s18], [sflag:$0x2] =	stream.indirect.gather.add.f32 [hbm:s5], $0x20, s20, s14, $0xb8;
	[tilespmem:$0x4A00] =	vst v63  }
0xbc: {  	s21 =	simm.s32 $0x1500  }
0xbd: {  	[tilespmem:s18], [sflag:$0x2] =	stream.indirect.gather.add.f32 [hbm:s5], $0x20, s21, s14, $0xb8;
	[tilespmem:$0x4A00] =	vst v63  }
0xbe: {  	_ = 	snop  }
0xbf: {  	[tilespmem:s18], [sflag:$0x2] =	stream.indirect.gather.add.f32 [hbm:s5], $0x20, s22, s14, $0xb8;
	[tilespmem:$0x4A00] =	vst v63  }
0xc0: {  	_ = 	snop  }
0xc1: {  	[tilespmem:s18], [sflag:$0x2] =	stream.indirect.gather.add.f32 [hbm:s5], $0x20, s23, s14, $0xb8;
	[tilespmem:$0x4A00] =	vst v63  }
0xc2: {  	_ = 	snop  }
0xc3: {  	[tilespmem:s18], [sflag:$0x2] =	stream.indirect.gather.add.f32 [hbm:s5], $0x20, s24, s14, $0xb8;
	[tilespmem:$0x4A00] =	vst v63  }
0xc4: {  	_ = 	snop  }
0xc5: {  	[tilespmem:s18], [sflag:$0x2] =	stream.indirect.gather.add.f32 [hbm:s5], $0x20, s25, s14, $0xb8;
	[tilespmem:$0x4A00] =	vst v63  }
0xc6: {  	_ = 	snop  }
0xc7: {  	[tilespmem:s18], [sflag:$0x2] =	stream.indirect.gather.add.f32 [hbm:s5], $0x20, s26, s14, $0xb8;
	[tilespmem:$0x4A00] =	vst v63  }
0xc8: {  	_ = 	snop  }
0xc9: {  	[tilespmem:s18], [sflag:$0x2] =	stream.indirect.gather.add.f32 [hbm:s5], $0x20, s28, s14, $0xb8;
	[tilespmem:$0x4A00] =	vst v63  }
0xca: {  	_ = 	snop  }
0xcb: {  	[tilespmem:s18], [sflag:$0x2] =	stream.indirect.gather.add.f32 [hbm:s5], $0x20, s29, s14, $0xb8;
	[tilespmem:$0x4A00] =	vst v63  }
0xcc: {  	_ = 	snop  }
0xcd: {  	[tilespmem:s18], [sflag:$0x2] =	stream.indirect.gather.add.f32 [hbm:s5], $0x20, s30, s14, $0xb8;
	[tilespmem:$0x4A00] =	vst v63  }
0xce: {  	_ =	swait.ge [sflag:s19], $0x1000  }
0xcf: {  	[sflag:s19] =	ssyncset.done $0x0  }
0xd0: {  	[sflag:s19] =	ssyncadd.s32 $0xFFFFF000  }
0xd1: {  	_ =	swait.ge [sflag:s19], $0x1000  }
0xd2: {  	[sflag:s19] =	ssyncset.done $0x0  }
0xd3: {  	[sflag:s19] =	ssyncadd.s32 $0xFFFFF000  }
0xd4: {  	_ =	swait.ge [sflag:s19], $0x1000  }
0xd5: {  	[sflag:s19] =	ssyncset.done $0x0  }
0xd6: {  	[sflag:s19] =	ssyncadd.s32 $0xFFFFF000  }
0xd7: {  	_ =	swait.ge [sflag:s19], $0x1000  }
0xd8: {  	[sflag:s19] =	ssyncset.done $0x0  }
0xd9: {  	[sflag:s19] =	ssyncadd.s32 $0xFFFFF000  }
0xda: {  	_ =	swait.ge [sflag:s19], $0x1000  }
0xdb: {  	[sflag:s19] =	ssyncset.done $0x0  }
0xdc: {  	[sflag:s19] =	ssyncadd.s32 $0xFFFFF000  }
0xdd: {  	_ =	swait.ge [sflag:s19], $0x1000  }
0xde: {  	[sflag:s19] =	ssyncset.done $0x0  }
0xdf: {  	[sflag:s19] =	ssyncadd.s32 $0xFFFFF000  }
0xe0: {  	_ =	swait.ge [sflag:s19], $0x1000  }
0xe1: {  	[sflag:s19] =	ssyncset.done $0x0  }
0xe2: {  	[sflag:s19] =	ssyncadd.s32 $0xFFFFF000  }
0xe3: {  	_ =	swait.ge [sflag:s19], $0x1000  }
0xe4: {  	[sflag:s19] =	ssyncset.done $0x0  }
0xe5: {  	[sflag:s19] =	ssyncadd.s32 $0xFFFFF000  }
0xe6: {  	_ =	swait.ge [sflag:s19], $0x1000  }
0xe7: {  	[sflag:s19] =	ssyncset.done $0x0  }
0xe8: {  	[sflag:s19] =	ssyncadd.s32 $0xFFFFF000  }
0xe9: {  	_ =	swait.ge [sflag:s19], $0x1000  }
0xea: {  	[sflag:s19] =	ssyncset.done $0x0  }
0xeb: {  	[sflag:s19] =	ssyncadd.s32 $0xFFFFF000  }
0xec: {  	_ =	swait.ge [sflag:s19], $0x1000  }
0xed: {  	[sflag:s19] =	ssyncset.done $0x0  }
0xee: {  	[sflag:s19] =	ssyncadd.s32 $0xFFFFF000  }
0xef: {  	_ =	swait.ge [sflag:s19], $0x1000  }
0xf0: {  	[sflag:s19] =	ssyncset.done $0x0  }
0xf1: {  	[sflag:s19] =	ssyncadd.s32 $0xFFFFF000  }
0xf2: {  	_ =	swait.ge [sflag:s19], $0x1000  }
0xf3: {  	[sflag:s19] =	ssyncset.done $0x0  }
0xf4: {  	[sflag:s19] =	ssyncadd.s32 $0xFFFFF000  }
0xf5: {  	_ =	swait.ge [sflag:s19], $0x1000  }
0xf6: {  	[sflag:s19] =	ssyncset.done $0x0  }
0xf7: {  	[sflag:s19] =	ssyncadd.s32 $0xFFFFF000  }
0xf8: {  	_ =	swait.ge [sflag:s19], $0x1000  }
0xf9: {  	[sflag:s19] =	ssyncset.done $0x0  }
0xfa: {  	[sflag:s19] =	ssyncadd.s32 $0xFFFFF000  }
0xfb: {  	_ =	swait.ge [sflag:s19], $0x1000  }
0xfc: {  	[sflag:s19] =	ssyncset.done $0x0  }
0xfd: {  	[sflag:s19] =	ssyncadd.s32 $0xFFFFF000  }
0xfe: {  	_ =	swait.ge [sflag:s19], $0x1000  }
0xff: {  	[sflag:s19] =	ssyncset.done $0x0  }
0x100: {  	[sflag:s19] =	ssyncadd.s32 $0xFFFFF000  }
0x101: {  	_ =	swait.ge [sflag:s19], $0x1000  }
0x102: {  	[sflag:s19] =	ssyncset.done $0x0  }
0x103: {  	[sflag:s19] =	ssyncadd.s32 $0xFFFFF000  }
0x104: {  	_ =	swait.ge [sflag:s19], $0x1000  }
0x105: {  	[sflag:s19] =	ssyncset.done $0x0  }
0x106: {  	[sflag:s19] =	ssyncadd.s32 $0xFFFFF000  }
0x107: {  	_ =	swait.ge [sflag:s19], $0x1000  }
0x108: {  	[sflag:s19] =	ssyncset.done $0x0  }
0x109: {  	[sflag:s19] =	ssyncadd.s32 $0xFFFFF000  }
0x10a: {  	_ =	swait.ge [sflag:s19], $0x1000  }
0x10b: {  	[sflag:s19] =	ssyncset.done $0x0  }
0x10c: {  	[sflag:s19] =	ssyncadd.s32 $0xFFFFF000  }
0x10d: {  	_ =	swait.ge [sflag:s19], $0x1000  }
0x10e: {  	[sflag:s19] =	ssyncset.done $0x0  }
0x10f: {  	[sflag:s19] =	ssyncadd.s32 $0xFFFFF000  }
0x110: {  	_ =	swait.ge [sflag:s19], $0x1000  }
0x111: {  	[sflag:s19] =	ssyncset.done $0x0  }
0x112: {  	[sflag:s19] =	ssyncadd.s32 $0xFFFFF000  }
0x113: {  	_ =	swait.ge [sflag:s19], $0x1000  }
0x114: {  	[sflag:s19] =	ssyncset.done $0x0  }
0x115: {  	[sflag:s19] =	ssyncadd.s32 $0xFFFFF000  }
0x116: {  	_ =	swait.ge [sflag:s19], $0x1000  }
0x117: {  	[sflag:s19] =	ssyncset.done $0x0  }
0x118: {  	s1 =	simm.s32 $0x0;
	[sflag:s19] =	ssyncadd.s32 $0xFFFFF000  }
0x119: {  	s20 =	simm.s32 $0x80;
	v0 =	vld [tilespmem:s1+$0x3A00]  }
.LBB2_2:
0x11a: {  	p0 =	sne.s32 s20, $0x3F80;
	v1 =	vld [tilespmem:s1+$0x3A10];
	_ =	sdelay $0x2  }
.Ltmp0:
0x11b: {  	(pc) =	sbr.rel @p0 .LBB2_2-.Ltmp0, $4  }
0x11c: {  	v0 =	vmul.f32 $1.999999960e-02, v0  }
0x11d: {  	v1 =	vmul.f32 $1.999999960e-02, v1  }
0x11e: {  	s21 =	sshra.s32 s20, $0x2;
	[tilespmem:s1+$0x3A00] =	vst v0  }
0x11f: {  	s20 =	sadd.s32 $0x80, s20;
	v0 =	vld [tilespmem:s21+$0x3A00];
	[tilespmem:s1+$0x3A10] =	vst v1;
	s1 =	smov.u32 s21  }
0x120: {  	v1 =	vld [tilespmem:s1+$0x3A10];
	_ =	sdelay $0x3  }
0x121: {  	v0 =	vmul.f32 $1.999999960e-02, v0  }
0x122: {  	v1 =	vmul.f32 $1.999999960e-02, v1  }
0x123: {  	[tilespmem:s1+$0x3A00] =	vst v0  }
0x124: {  	[tilespmem:s1+$0x3A10] =	vst v1  }
0x125: {  	_ =	swait.ge [sflag:s31], $0x1000  }
0x126: {  	[sflag:s31] =	ssyncset.done $0x0  }
0x127: {  	[sflag:s31] =	ssyncadd.s32 $0xFFFFF000  }
0x128: {  	_ =	swait.ge [sflag:s31], $0x1000  }
0x129: {  	[sflag:s31] =	ssyncset.done $0x0  }
0x12a: {  	[sflag:s31] =	ssyncadd.s32 $0xFFFFF000  }
0x12b: {  	[hbm4b:s9+s2] =	stream.linear.scatter [tilespmem:s16], [sflag:$0x3], $0x1000, $0x38;
	[tilespmem:$0x4A00] =	vst v63  }
0x12c: {  	_ =	swait.ge [sflag:s13], $0x1000  }
0x12d: {  	[sflag:s13] =	ssyncset.done $0x0  }
0x12e: {  	[sflag:s13] =	ssyncadd.s32 $0xFFFFF000  }
0x12f: {  	[hbm4b:s10+s2] =	stream.linear.scatter [tilespmem:s17], [sflag:$0x3], $0x1000, $0x38;
	[tilespmem:$0x4A00] =	vst v63  }
0x130: {  	s0 =	sadd.s32 $0x1, s0;
	_ =	swait.ge [sflag:s13], $0x1000  }
0x131: {  	p0 =	sne.s32 s0, s12;
	[sflag:s13] =	ssyncset.done $0x0  }
.Ltmp1:
0x132: {  	[sflag:s13] =	ssyncadd.s32 $0xFFFFF000;
	(pc) =	sbr.rel @p0 .LBB2_1-.Ltmp1, $4  }
0x133: {  	[hbm4b:s11+s2] =	stream.linear.scatter [tilespmem:s18], [sflag:$0x3], $0x1000, $0x38;
	[tilespmem:$0x4A00] =	vst v63  }
0x134: {  	_ =	swait.ge [sflag:s13], $0x1000  }
0x135: {  	[sflag:s13] =	ssyncset.done $0x0  }
0x136: {  	[sflag:s13] =	ssyncadd.s32 $0xFFFFF000  }
0x137: {  	_ =	sfence.sel $0x180000  }
0x138: {  	[bflag:$0x0] =	sbarrier.arrive $0xFFFF  }
0x139: {  	_ =	strace $0x90000047  }
0x13a: {  	s0 =	stileid.u32;
	[bflag:$0x2] =	sbarrier.arrive $0xFFFF  }
0x13b: {  	p0 =	sne.s32 s0, $0x0;
	s0 =	rddreg [dreg:$0x4]  }
0x13c: {  	s0 =	sadd.s32 @!p0 $0x100000, s0  }
0x13d: {  	[sflag:s0] =	ssyncadd.tile.s32 @!p0 $0x1;
	_ =	shalt  }
.Lfunc_end2:
_tile_overlayer_lowered:
.L_overlay_start_2:
0x13e: {  	(tag) =	ssettag $0x2  }
0x13f: {  	s0 =	rddreg [dreg:$0x0];
	s2 =	stileid.u32  }
0x140: {  	s1 =	rddreg [dreg:$0x1];
	p0 =	sne.s32 s2, $0x0  }
0x141: {  	s3 =	rddreg [dreg:$0x2];
	[bflag:$0x3] =	sbarrier.arrive $0xFFFF;
	s2 =	simm.s32 @!p0 $0x1C03  }
0x142: {  	[timem:s3], [sflag:s2] =	dma.local @!p0 [hbm:s0], s1  }
0x143: {  	s0 =	simm.s32 @!p0 $0x3  }
0x144: {  	_ =	swait.ge @!p0 [sflag:s0], s1  }
0x145: {  	s1 =	ssub.s32 @!p0 $0x0, s1;
	[sflag:s0] =	ssyncset.done @!p0 $0x0  }
0x146: {  	[sflag:s0] =	ssyncadd.s32 @!p0 s1  }
0x147: {  	[bflag:$0x3] =	sbarrier.arrive $0xFFFF  }
0x148: {  	_ =	shalt  }

</sc_bundles>
